<compile_context>
chip_gen: v7x
topology: tpu7x:2x2x1
jax: 0.10.2.dev20260603
libtpu: 0.0.44.dev20260713+nightly
codegen_flags: <defaults>
</compile_context>

<pallas_src>
import functools

import jax
import jax.numpy as jnp
from jax import lax
from jax.experimental import pallas as pl
from jax.experimental.pallas import tpu as pltpu
from jax.experimental.pallas import tpu_sc as plsc

B = 4096
T = 200
D_OUT = 112
BT = B * T
NW = 32
CH = 128
G = 8
N_CH = BT // CH
CH_PER_W = N_CH // NW
NG = CH_PER_W // G
SB = B // NW
BB = 32


def _sc_gather(idx2d, sidx0, sidx1, dyn_table, st0, st1):
  mesh = plsc.VectorSubcoreMesh(core_axis_name="c", subcore_axis_name="s")

  @functools.partial(
      pl.kernel,
      out_type=(
          jax.ShapeDtypeStruct((BT, 32), jnp.float32),
          jax.ShapeDtypeStruct((B, 32), jnp.float32),
          jax.ShapeDtypeStruct((B, 32), jnp.float32),
      ),
      mesh=mesh,
      compiler_params=pltpu.CompilerParams(use_tc_tiling_on_sc=False),
      scratch_types=[
          pltpu.VMEM((G, CH), jnp.int32),
          pltpu.VMEM((G * CH, 32), jnp.float32),
          pltpu.VMEM((SB,), jnp.int32),
          pltpu.VMEM((SB, 32), jnp.float32),
          pltpu.SemaphoreType.DMA,
      ],
  )
  def k(idx_hbm, s0_hbm, s1_hbm, tbl_hbm, t0_hbm, t1_hbm,
        dyn_out, es0_out, es1_out, idx_v, rows_v, sidx_v, srows_v, sem):
    wid = lax.axis_index("s") * 2 + lax.axis_index("c")
    c0 = wid * CH_PER_W

    def group(g, carry):
      pltpu.sync_copy(idx_hbm.at[pl.ds(c0 + g * G, G)], idx_v)
      cps = [
          pltpu.async_copy(tbl_hbm.at[idx_v.at[j]],
                           rows_v.at[pl.ds(j * CH, CH)], sem)
          for j in range(G)
      ]
      for cp in cps:
        cp.wait()
      pltpu.sync_copy(rows_v, dyn_out.at[pl.ds((c0 + g * G) * CH, G * CH)])
      return carry

    lax.fori_loop(0, NG, group, 0)

    b0 = wid * SB
    pltpu.sync_copy(s0_hbm.at[pl.ds(b0, SB)], sidx_v)
    pltpu.async_copy(t0_hbm.at[sidx_v], srows_v, sem).wait()
    pltpu.sync_copy(srows_v, es0_out.at[pl.ds(b0, SB)])
    pltpu.sync_copy(s1_hbm.at[pl.ds(b0, SB)], sidx_v)
    pltpu.async_copy(t1_hbm.at[sidx_v], srows_v, sem).wait()
    pltpu.sync_copy(srows_v, es1_out.at[pl.ds(b0, SB)])

  return k(idx2d, sidx0, sidx1, dyn_table, st0, st1)


def _tc_assemble(es0, es1, sreal, emb_dyn, dyn_real_t):
  def body(s0_ref, s1_ref, sr_ref, ed_ref, drt_ref, out_ref):
    stat = jnp.concatenate([s0_ref[...], s1_ref[...], sr_ref[...]], axis=-1)
    statb = jnp.broadcast_to(stat[:, :, None], (BB, 72, T))
    ed = ed_ref[...].reshape(BB, T, 32)
    edt = jnp.transpose(ed, (0, 2, 1))
    out_ref[...] = jnp.concatenate([statb, edt, drt_ref[...]], axis=1)

  return pl.pallas_call(
      body,
      grid=(B // BB,),
      out_shape=jax.ShapeDtypeStruct((B, D_OUT, T), jnp.float32),
      in_specs=[
          pl.BlockSpec((BB, 32), lambda i: (i, 0)),
          pl.BlockSpec((BB, 32), lambda i: (i, 0)),
          pl.BlockSpec((BB, 8), lambda i: (i, 0)),
          pl.BlockSpec((BB * T, 32), lambda i: (i, 0)),
          pl.BlockSpec((BB, 8, T), lambda i: (i, 0, 0)),
      ],
      out_specs=pl.BlockSpec((BB, D_OUT, T), lambda i: (i, 0, 0)),
      compiler_params=pltpu.CompilerParams(
          dimension_semantics=("arbitrary",)),
  )(es0, es1, sreal, emb_dyn, dyn_real_t)


def kernel(feat_static_cat, feat_static_real, feat_dynamic_cat,
           feat_dynamic_real, static_table0, static_table1, dyn_table0):
  idx2d = feat_dynamic_cat.astype(jnp.int32).reshape(N_CH, CH)
  s0 = feat_static_cat[:, 0].astype(jnp.int32)
  s1 = feat_static_cat[:, 1].astype(jnp.int32)
  emb_dyn, es0, es1 = _sc_gather(idx2d, s0, s1, dyn_table0,
                                 static_table0, static_table1)
  drt = jnp.swapaxes(feat_dynamic_real, 1, 2)
  out2 = _tc_assemble(es0, es1, feat_static_real, emb_dyn, drt)
  return jnp.swapaxes(out2, 1, 2)

# --- scband reference (transcript-rebuilt; emitter-appended) ---
"""Pipeline reference for scband-feature-assembler-59081570124533 (READ-ONLY COPY).

The authoritative reference and input builder live on the scoring server;
editing this copy changes nothing except your own understanding.
"""

import jax, jax.numpy as jnp
import numpy as np

T = 200
B = 4096
VOCAB = 100000
D_STATIC = [32, 32]
D_DYN = [32]


def setup_inputs(seed: int = 0) -> dict:
    key = jax.random.key(seed)
    ks = jax.random.split(key, 8)
    feat_static_cat = jax.random.randint(ks[0], (B, 2), 0, VOCAB, dtype=jnp.int64 if jax.config.jax_enable_x64 else jnp.int32)
    feat_static_real = jax.random.normal(ks[1], (B, 8), dtype=jnp.float32)
    feat_dynamic_cat = jax.random.randint(ks[2], (B, T, 1), 0, VOCAB, dtype=jnp.int64 if jax.config.jax_enable_x64 else jnp.int32)
    feat_dynamic_real = jax.random.normal(ks[3], (B, T, 8), dtype=jnp.float32)
    static_table0 = jax.random.normal(ks[4], (VOCAB, D_STATIC[0]), dtype=jnp.float32)
    static_table1 = jax.random.normal(ks[5], (VOCAB, D_STATIC[1]), dtype=jnp.float32)
    dyn_table0 = jax.random.normal(ks[6], (VOCAB, D_DYN[0]), dtype=jnp.float32)
    return {
        'feat_static_cat': feat_static_cat,
        'feat_static_real': feat_static_real,
        'feat_dynamic_cat': feat_dynamic_cat,
        'feat_dynamic_real': feat_dynamic_real,
        'static_table0': static_table0,
        'static_table1': static_table1,
        'dyn_table0': dyn_table0,
    }


def _embed_multi(features, tables):
    # features: [..., num_features] int; tables: list of [vocab, d]
    n = len(tables)
    if n > 1:
        slices = jnp.split(features, n, axis=-1)
    else:
        slices = [features]
    outs = []
    for tbl, sl in zip(tables, slices):
        idx = jnp.squeeze(sl, axis=-1)
        outs.append(jnp.take(tbl, idx, axis=0))
    return jnp.concatenate(outs, axis=-1)


def reference(feat_static_cat, feat_static_real, feat_dynamic_cat, feat_dynamic_real,
              static_table0, static_table1, dyn_table0):
    # process_static_cat: embed then expand over time
    emb_static = _embed_multi(feat_static_cat, [static_table0, static_table1])  # [B, 64]
    emb_static = jnp.broadcast_to(emb_static[:, None, :], (emb_static.shape[0], T, emb_static.shape[-1])).astype(jnp.float32)
    # process_static_real: expand over time
    static_real = jnp.broadcast_to(feat_static_real[:, None, :], (feat_static_real.shape[0], T, feat_static_real.shape[-1]))
    # process_dynamic_cat: embed
    emb_dyn = _embed_multi(feat_dynamic_cat, [dyn_table0])  # [B, T, 32]
    # process_dynamic_real: identity
    dyn_real = feat_dynamic_real
    return jnp.concatenate([emb_static, static_real, emb_dyn, dyn_real], axis=-1)

if __name__ == "__main__":
    import jax
    _d = setup_inputs()
    print(jax.jit(kernel)(*tuple(_d.values())))

</pallas_src>

<mosaic_0001>
#map = affine_map<(d0, d1) -> (0, 0)>
#map1 = affine_map<(d0, d1) -> (0)>
module attributes {stable_mosaic.version = 14 : i64} {
  func.func @k(%arg0: i32, %arg1: i32, %arg2: memref<6400x128xi32, #tpu.memory_space<hbm>>, %arg3: memref<4096xi32, #tpu.memory_space<hbm>>, %arg4: memref<4096xi32, #tpu.memory_space<hbm>>, %arg5: memref<100000x32xf32, #tpu.memory_space<hbm>>, %arg6: memref<100000x32xf32, #tpu.memory_space<hbm>>, %arg7: memref<100000x32xf32, #tpu.memory_space<hbm>>, %arg8: memref<819200x32xf32, #tpu.memory_space<hbm>>, %arg9: memref<4096x32xf32, #tpu.memory_space<hbm>>, %arg10: memref<4096x32xf32, #tpu.memory_space<hbm>>, %arg11: memref<8x128xi32, #tpu.memory_space<vmem>>, %arg12: memref<1024x32xf32, #tpu.memory_space<vmem>>, %arg13: memref<128xi32, #tpu.memory_space<vmem>>, %arg14: memref<128x32xf32, #tpu.memory_space<vmem>>, %arg15: memref<!tpu.dma_semaphore, #tpu.memory_space<semaphore_mem>>) attributes {dimension_semantics = [#tpu.dimension_semantics<core_parallel>, #tpu.dimension_semantics<subcore_parallel>], iteration_bounds = array<i64: 2, 16>, scalar_prefetch = 0 : i64, scratch_operands = 5 : i64, tpu.core_type = #tpu.core_type<sc_vector_subcore>, window_params = [{transform_indices = #map}, {transform_indices = #map1}, {transform_indices = #map1}, {transform_indices = #map}, {transform_indices = #map}, {transform_indices = #map}, {transform_indices = #map}, {transform_indices = #map}, {transform_indices = #map}]} {
    %mul3A = arith.constant 2 : i32
    %mul3A_0 = arith.muli %arg1, %mul3A : i32
    %add3A = arith.addi %mul3A_0, %arg0 : i32
    %mul3A_1 = arith.constant 200 : i32
    %mul3A_2 = arith.muli %add3A, %mul3A_1 : i32
    %scan3A = arith.constant 0 : i32
    %scan3A_3 = arith.constant 0 : i32
    %scan3A_4 = arith.constant 25 : i32
    %scan3A_5 = arith.addi %scan3A_3, %scan3A_4 : i32
    %scan3A_6 = arith.constant 1 : i32
    scf.for %scan3A_20 = %scan3A_3 to %scan3A_5 step %scan3A_6  : i32 {
      %mul3A_21 = arith.constant 8 : i32
      %mul3A_22 = arith.muli %scan3A_20, %mul3A_21 : i32
      %add3A_23 = arith.addi %mul3A_2, %mul3A_22 : i32
      "tpu.region"() ({
        %run_scoped3A = tpu.sem_alloc : memref<!tpu.dma_semaphore, #tpu.memory_space<semaphore_mem>>
        %dma_start3A_189 = arith.constant 0 : i32
        %dma_start3A_190 = tpu.memref_slice %arg2[%add3A_23, %dma_start3A_189] : memref<6400x128xi32, #tpu.memory_space<hbm>> -> memref<8x128xi32, #tpu.memory_space<hbm>>
        %dma_start3A_191 = arith.constant 0 : i32
        %dma_start3A_192 = tpu.memref_slice %arg2[%add3A_23, %dma_start3A_191] : memref<6400x128xi32, #tpu.memory_space<hbm>> -> memref<8x128xi32, #tpu.memory_space<hbm>>
        tpu.enqueue_dma source(%dma_start3A_192 : memref<8x128xi32, #tpu.memory_space<hbm>>) target(%arg11 : memref<8x128xi32, #tpu.memory_space<vmem>>) target_semaphore(%run_scoped3A : memref<!tpu.dma_semaphore, #tpu.memory_space<semaphore_mem>>)
        %dma_wait3A_193 = arith.constant 0 : i32
        %dma_wait3A_194 = tpu.memref_slice %arg2[%add3A_23, %dma_wait3A_193] : memref<6400x128xi32, #tpu.memory_space<hbm>> -> memref<8x128xi32, #tpu.memory_space<hbm>>
        %dma_wait3A_195 = arith.constant 0 : i32
        %dma_wait3A_196 = tpu.memref_slice %arg2[%add3A_23, %dma_wait3A_195] : memref<6400x128xi32, #tpu.memory_space<hbm>> -> memref<8x128xi32, #tpu.memory_space<hbm>>
        tpu.wait_dma2 semaphore(%run_scoped3A : memref<!tpu.dma_semaphore, #tpu.memory_space<semaphore_mem>>) src(%dma_wait3A_196 : memref<8x128xi32, #tpu.memory_space<hbm>>) dst(%arg11 : memref<8x128xi32, #tpu.memory_space<vmem>>)
        tpu.yield
      }) : () -> ()
      %dma_start3A_24 = arith.constant 0 : i32
      %dma_start3A_25 = arith.constant 0 : i32
      %dma_start3A_26 = arith.constant 0 : i32
      %dma_start3A_27 = tpu.memref_slice %arg12[%dma_start3A_25, %dma_start3A_26] : memref<1024x32xf32, #tpu.memory_space<vmem>> -> memref<128x32xf32, #tpu.memory_space<vmem>>
      %dma_start3A_28 = arith.constant 0 : i32
      %dma_start3A_29 = tpu.memref_slice %arg11[%dma_start3A_24, %dma_start3A_28] : memref<8x128xi32, #tpu.memory_space<vmem>> -> memref<1x128xi32, #tpu.memory_space<vmem>>
      %dma_start3A_30 = tpu.memref_squeeze %dma_start3A_29 : memref<1x128xi32, #tpu.memory_space<vmem>> -> memref<128xi32, #tpu.memory_space<vmem>>
      %dma_start3A_31 = arith.constant 0 : i32
      %dma_start3A_32 = arith.constant 0 : i32
      %dma_start3A_33 = tpu.memref_slice %arg5[%dma_start3A_31, %dma_start3A_32] : memref<100000x32xf32, #tpu.memory_space<hbm>> -> memref<100000x32xf32, #tpu.memory_space<hbm>>
      tpu.enqueue_indirect_dma source(%dma_start3A_33 : memref<100000x32xf32, #tpu.memory_space<hbm>>) target(%dma_start3A_27 : memref<128x32xf32, #tpu.memory_space<vmem>>) offsets(%dma_start3A_30 : memref<128xi32, #tpu.memory_space<vmem>>) semaphore(%arg15 : memref<!tpu.dma_semaphore, #tpu.memory_space<semaphore_mem>>)
      %dma_start3A_34 = arith.constant 1 : i32
      %dma_start3A_35 = arith.constant 128 : i32
      %dma_start3A_36 = arith.constant 0 : i32
      %dma_start3A_37 = tpu.memref_slice %arg12[%dma_start3A_35, %dma_start3A_36] : memref<1024x32xf32, #tpu.memory_space<vmem>> -> memref<128x32xf32, #tpu.memory_space<vmem>>
      %dma_start3A_38 = arith.constant 0 : i32
      %dma_start3A_39 = tpu.memref_slice %arg11[%dma_start3A_34, %dma_start3A_38] : memref<8x128xi32, #tpu.memory_space<vmem>> -> memref<1x128xi32, #tpu.memory_space<vmem>>
      %dma_start3A_40 = tpu.memref_squeeze %dma_start3A_39 : memref<1x128xi32, #tpu.memory_space<vmem>> -> memref<128xi32, #tpu.memory_space<vmem>>
      %dma_start3A_41 = arith.constant 0 : i32
      %dma_start3A_42 = arith.constant 0 : i32
      %dma_start3A_43 = tpu.memref_slice %arg5[%dma_start3A_41, %dma_start3A_42] : memref<100000x32xf32, #tpu.memory_space<hbm>> -> memref<100000x32xf32, #tpu.memory_space<hbm>>
      tpu.enqueue_indirect_dma source(%dma_start3A_43 : memref<100000x32xf32, #tpu.memory_space<hbm>>) target(%dma_start3A_37 : memref<128x32xf32, #tpu.memory_space<vmem>>) offsets(%dma_start3A_40 : memref<128xi32, #tpu.memory_space<vmem>>) semaphore(%arg15 : memref<!tpu.dma_semaphore, #tpu.memory_space<semaphore_mem>>)
      %dma_start3A_44 = arith.constant 2 : i32
      %dma_start3A_45 = arith.constant 256 : i32
      %dma_start3A_46 = arith.constant 0 : i32
      %dma_start3A_47 = tpu.memref_slice %arg12[%dma_start3A_45, %dma_start3A_46] : memref<1024x32xf32, #tpu.memory_space<vmem>> -> memref<128x32xf32, #tpu.memory_space<vmem>>
      %dma_start3A_48 = arith.constant 0 : i32
      %dma_start3A_49 = tpu.memref_slice %arg11[%dma_start3A_44, %dma_start3A_48] : memref<8x128xi32, #tpu.memory_space<vmem>> -> memref<1x128xi32, #tpu.memory_space<vmem>>
      %dma_start3A_50 = tpu.memref_squeeze %dma_start3A_49 : memref<1x128xi32, #tpu.memory_space<vmem>> -> memref<128xi32, #tpu.memory_space<vmem>>
      %dma_start3A_51 = arith.constant 0 : i32
      %dma_start3A_52 = arith.constant 0 : i32
      %dma_start3A_53 = tpu.memref_slice %arg5[%dma_start3A_51, %dma_start3A_52] : memref<100000x32xf32, #tpu.memory_space<hbm>> -> memref<100000x32xf32, #tpu.memory_space<hbm>>
      tpu.enqueue_indirect_dma source(%dma_start3A_53 : memref<100000x32xf32, #tpu.memory_space<hbm>>) target(%dma_start3A_47 : memref<128x32xf32, #tpu.memory_space<vmem>>) offsets(%dma_start3A_50 : memref<128xi32, #tpu.memory_space<vmem>>) semaphore(%arg15 : memref<!tpu.dma_semaphore, #tpu.memory_space<semaphore_mem>>)
      %dma_start3A_54 = arith.constant 3 : i32
      %dma_start3A_55 = arith.constant 384 : i32
      %dma_start3A_56 = arith.constant 0 : i32
      %dma_start3A_57 = tpu.memref_slice %arg12[%dma_start3A_55, %dma_start3A_56] : memref<1024x32xf32, #tpu.memory_space<vmem>> -> memref<128x32xf32, #tpu.memory_space<vmem>>
      %dma_start3A_58 = arith.constant 0 : i32
      %dma_start3A_59 = tpu.memref_slice %arg11[%dma_start3A_54, %dma_start3A_58] : memref<8x128xi32, #tpu.memory_space<vmem>> -> memref<1x128xi32, #tpu.memory_space<vmem>>
      %dma_start3A_60 = tpu.memref_squeeze %dma_start3A_59 : memref<1x128xi32, #tpu.memory_space<vmem>> -> memref<128xi32, #tpu.memory_space<vmem>>
      %dma_start3A_61 = arith.constant 0 : i32
      %dma_start3A_62 = arith.constant 0 : i32
      %dma_start3A_63 = tpu.memref_slice %arg5[%dma_start3A_61, %dma_start3A_62] : memref<100000x32xf32, #tpu.memory_space<hbm>> -> memref<100000x32xf32, #tpu.memory_space<hbm>>
      tpu.enqueue_indirect_dma source(%dma_start3A_63 : memref<100000x32xf32, #tpu.memory_space<hbm>>) target(%dma_start3A_57 : memref<128x32xf32, #tpu.memory_space<vmem>>) offsets(%dma_start3A_60 : memref<128xi32, #tpu.memory_space<vmem>>) semaphore(%arg15 : memref<!tpu.dma_semaphore, #tpu.memory_space<semaphore_mem>>)
      %dma_start3A_64 = arith.constant 4 : i32
      %dma_start3A_65 = arith.constant 512 : i32
      %dma_start3A_66 = arith.constant 0 : i32
      %dma_start3A_67 = tpu.memref_slice %arg12[%dma_start3A_65, %dma_start3A_66] : memref<1024x32xf32, #tpu.memory_space<vmem>> -> memref<128x32xf32, #tpu.memory_space<vmem>>
      %dma_start3A_68 = arith.constant 0 : i32
      %dma_start3A_69 = tpu.memref_slice %arg11[%dma_start3A_64, %dma_start3A_68] : memref<8x128xi32, #tpu.memory_space<vmem>> -> memref<1x128xi32, #tpu.memory_space<vmem>>
      %dma_start3A_70 = tpu.memref_squeeze %dma_start3A_69 : memref<1x128xi32, #tpu.memory_space<vmem>> -> memref<128xi32, #tpu.memory_space<vmem>>
      %dma_start3A_71 = arith.constant 0 : i32
      %dma_start3A_72 = arith.constant 0 : i32
      %dma_start3A_73 = tpu.memref_slice %arg5[%dma_start3A_71, %dma_start3A_72] : memref<100000x32xf32, #tpu.memory_space<hbm>> -> memref<100000x32xf32, #tpu.memory_space<hbm>>
      tpu.enqueue_indirect_dma source(%dma_start3A_73 : memref<100000x32xf32, #tpu.memory_space<hbm>>) target(%dma_start3A_67 : memref<128x32xf32, #tpu.memory_space<vmem>>) offsets(%dma_start3A_70 : memref<128xi32, #tpu.memory_space<vmem>>) semaphore(%arg15 : memref<!tpu.dma_semaphore, #tpu.memory_space<semaphore_mem>>)
      %dma_start3A_74 = arith.constant 5 : i32
      %dma_start3A_75 = arith.constant 640 : i32
      %dma_start3A_76 = arith.constant 0 : i32
      %dma_start3A_77 = tpu.memref_slice %arg12[%dma_start3A_75, %dma_start3A_76] : memref<1024x32xf32, #tpu.memory_space<vmem>> -> memref<128x32xf32, #tpu.memory_space<vmem>>
      %dma_start3A_78 = arith.constant 0 : i32
      %dma_start3A_79 = tpu.memref_slice %arg11[%dma_start3A_74, %dma_start3A_78] : memref<8x128xi32, #tpu.memory_space<vmem>> -> memref<1x128xi32, #tpu.memory_space<vmem>>
      %dma_start3A_80 = tpu.memref_squeeze %dma_start3A_79 : memref<1x128xi32, #tpu.memory_space<vmem>> -> memref<128xi32, #tpu.memory_space<vmem>>
      %dma_start3A_81 = arith.constant 0 : i32
      %dma_start3A_82 = arith.constant 0 : i32
      %dma_start3A_83 = tpu.memref_slice %arg5[%dma_start3A_81, %dma_start3A_82] : memref<100000x32xf32, #tpu.memory_space<hbm>> -> memref<100000x32xf32, #tpu.memory_space<hbm>>
      tpu.enqueue_indirect_dma source(%dma_start3A_83 : memref<100000x32xf32, #tpu.memory_space<hbm>>) target(%dma_start3A_77 : memref<128x32xf32, #tpu.memory_space<vmem>>) offsets(%dma_start3A_80 : memref<128xi32, #tpu.memory_space<vmem>>) semaphore(%arg15 : memref<!tpu.dma_semaphore, #tpu.memory_space<semaphore_mem>>)
      %dma_start3A_84 = arith.constant 6 : i32
      %dma_start3A_85 = arith.constant 768 : i32
      %dma_start3A_86 = arith.constant 0 : i32
      %dma_start3A_87 = tpu.memref_slice %arg12[%dma_start3A_85, %dma_start3A_86] : memref<1024x32xf32, #tpu.memory_space<vmem>> -> memref<128x32xf32, #tpu.memory_space<vmem>>
      %dma_start3A_88 = arith.constant 0 : i32
      %dma_start3A_89 = tpu.memref_slice %arg11[%dma_start3A_84, %dma_start3A_88] : memref<8x128xi32, #tpu.memory_space<vmem>> -> memref<1x128xi32, #tpu.memory_space<vmem>>
      %dma_start3A_90 = tpu.memref_squeeze %dma_start3A_89 : memref<1x128xi32, #tpu.memory_space<vmem>> -> memref<128xi32, #tpu.memory_space<vmem>>
      %dma_start3A_91 = arith.constant 0 : i32
      %dma_start3A_92 = arith.constant 0 : i32
      %dma_start3A_93 = tpu.memref_slice %arg5[%dma_start3A_91, %dma_start3A_92] : memref<100000x32xf32, #tpu.memory_space<hbm>> -> memref<100000x32xf32, #tpu.memory_space<hbm>>
      tpu.enqueue_indirect_dma source(%dma_start3A_93 : memref<100000x32xf32, #tpu.memory_space<hbm>>) target(%dma_start3A_87 : memref<128x32xf32, #tpu.memory_space<vmem>>) offsets(%dma_start3A_90 : memref<128xi32, #tpu.memory_space<vmem>>) semaphore(%arg15 : memref<!tpu.dma_semaphore, #tpu.memory_space<semaphore_mem>>)
      %dma_start3A_94 = arith.constant 7 : i32
      %dma_start3A_95 = arith.constant 896 : i32
      %dma_start3A_96 = arith.constant 0 : i32
      %dma_start3A_97 = tpu.memref_slice %arg12[%dma_start3A_95, %dma_start3A_96] : memref<1024x32xf32, #tpu.memory_space<vmem>> -> memref<128x32xf32, #tpu.memory_space<vmem>>
      %dma_start3A_98 = arith.constant 0 : i32
      %dma_start3A_99 = tpu.memref_slice %arg11[%dma_start3A_94, %dma_start3A_98] : memref<8x128xi32, #tpu.memory_space<vmem>> -> memref<1x128xi32, #tpu.memory_space<vmem>>
      %dma_start3A_100 = tpu.memref_squeeze %dma_start3A_99 : memref<1x128xi32, #tpu.memory_space<vmem>> -> memref<128xi32, #tpu.memory_space<vmem>>
      %dma_start3A_101 = arith.constant 0 : i32
      %dma_start3A_102 = arith.constant 0 : i32
      %dma_start3A_103 = tpu.memref_slice %arg5[%dma_start3A_101, %dma_start3A_102] : memref<100000x32xf32, #tpu.memory_space<hbm>> -> memref<100000x32xf32, #tpu.memory_space<hbm>>
      tpu.enqueue_indirect_dma source(%dma_start3A_103 : memref<100000x32xf32, #tpu.memory_space<hbm>>) target(%dma_start3A_97 : memref<128x32xf32, #tpu.memory_space<vmem>>) offsets(%dma_start3A_100 : memref<128xi32, #tpu.memory_space<vmem>>) semaphore(%arg15 : memref<!tpu.dma_semaphore, #tpu.memory_space<semaphore_mem>>)
      %dma_wait3A_104 = arith.constant 0 : i32
      %dma_wait3A_105 = arith.constant 0 : i32
      %dma_wait3A_106 = arith.constant 0 : i32
      %dma_wait3A_107 = tpu.memref_slice %arg12[%dma_wait3A_105, %dma_wait3A_106] : memref<1024x32xf32, #tpu.memory_space<vmem>> -> memref<128x32xf32, #tpu.memory_space<vmem>>
      %dma_wait3A_108 = arith.constant 0 : i32
      %dma_wait3A_109 = tpu.memref_slice %arg11[%dma_wait3A_104, %dma_wait3A_108] : memref<8x128xi32, #tpu.memory_space<vmem>> -> memref<1x128xi32, #tpu.memory_space<vmem>>
      %dma_wait3A_110 = tpu.memref_squeeze %dma_wait3A_109 : memref<1x128xi32, #tpu.memory_space<vmem>> -> memref<128xi32, #tpu.memory_space<vmem>>
      %dma_wait3A_111 = arith.constant 0 : i32
      %dma_wait3A_112 = arith.constant 0 : i32
      %dma_wait3A_113 = tpu.memref_slice %arg5[%dma_wait3A_111, %dma_wait3A_112] : memref<100000x32xf32, #tpu.memory_space<hbm>> -> memref<100000x32xf32, #tpu.memory_space<hbm>>
      tpu.wait_indirect_dma semaphore(%arg15 : memref<!tpu.dma_semaphore, #tpu.memory_space<semaphore_mem>>) src(%dma_wait3A_113 : memref<100000x32xf32, #tpu.memory_space<hbm>>) dst(%dma_wait3A_107 : memref<128x32xf32, #tpu.memory_space<vmem>>)
      %dma_wait3A_114 = arith.constant 1 : i32
      %dma_wait3A_115 = arith.constant 128 : i32
      %dma_wait3A_116 = arith.constant 0 : i32
      %dma_wait3A_117 = tpu.memref_slice %arg12[%dma_wait3A_115, %dma_wait3A_116] : memref<1024x32xf32, #tpu.memory_space<vmem>> -> memref<128x32xf32, #tpu.memory_space<vmem>>
      %dma_wait3A_118 = arith.constant 0 : i32
      %dma_wait3A_119 = tpu.memref_slice %arg11[%dma_wait3A_114, %dma_wait3A_118] : memref<8x128xi32, #tpu.memory_space<vmem>> -> memref<1x128xi32, #tpu.memory_space<vmem>>
      %dma_wait3A_120 = tpu.memref_squeeze %dma_wait3A_119 : memref<1x128xi32, #tpu.memory_space<vmem>> -> memref<128xi32, #tpu.memory_space<vmem>>
      %dma_wait3A_121 = arith.constant 0 : i32
      %dma_wait3A_122 = arith.constant 0 : i32
      %dma_wait3A_123 = tpu.memref_slice %arg5[%dma_wait3A_121, %dma_wait3A_122] : memref<100000x32xf32, #tpu.memory_space<hbm>> -> memref<100000x32xf32, #tpu.memory_space<hbm>>
      tpu.wait_indirect_dma semaphore(%arg15 : memref<!tpu.dma_semaphore, #tpu.memory_space<semaphore_mem>>) src(%dma_wait3A_123 : memref<100000x32xf32, #tpu.memory_space<hbm>>) dst(%dma_wait3A_117 : memref<128x32xf32, #tpu.memory_space<vmem>>)
      %dma_wait3A_124 = arith.constant 2 : i32
      %dma_wait3A_125 = arith.constant 256 : i32
      %dma_wait3A_126 = arith.constant 0 : i32
      %dma_wait3A_127 = tpu.memref_slice %arg12[%dma_wait3A_125, %dma_wait3A_126] : memref<1024x32xf32, #tpu.memory_space<vmem>> -> memref<128x32xf32, #tpu.memory_space<vmem>>
      %dma_wait3A_128 = arith.constant 0 : i32
      %dma_wait3A_129 = tpu.memref_slice %arg11[%dma_wait3A_124, %dma_wait3A_128] : memref<8x128xi32, #tpu.memory_space<vmem>> -> memref<1x128xi32, #tpu.memory_space<vmem>>
      %dma_wait3A_130 = tpu.memref_squeeze %dma_wait3A_129 : memref<1x128xi32, #tpu.memory_space<vmem>> -> memref<128xi32, #tpu.memory_space<vmem>>
      %dma_wait3A_131 = arith.constant 0 : i32
      %dma_wait3A_132 = arith.constant 0 : i32
      %dma_wait3A_133 = tpu.memref_slice %arg5[%dma_wait3A_131, %dma_wait3A_132] : memref<100000x32xf32, #tpu.memory_space<hbm>> -> memref<100000x32xf32, #tpu.memory_space<hbm>>
      tpu.wait_indirect_dma semaphore(%arg15 : memref<!tpu.dma_semaphore, #tpu.memory_space<semaphore_mem>>) src(%dma_wait3A_133 : memref<100000x32xf32, #tpu.memory_space<hbm>>) dst(%dma_wait3A_127 : memref<128x32xf32, #tpu.memory_space<vmem>>)
      %dma_wait3A_134 = arith.constant 3 : i32
      %dma_wait3A_135 = arith.constant 384 : i32
      %dma_wait3A_136 = arith.constant 0 : i32
      %dma_wait3A_137 = tpu.memref_slice %arg12[%dma_wait3A_135, %dma_wait3A_136] : memref<1024x32xf32, #tpu.memory_space<vmem>> -> memref<128x32xf32, #tpu.memory_space<vmem>>
      %dma_wait3A_138 = arith.constant 0 : i32
      %dma_wait3A_139 = tpu.memref_slice %arg11[%dma_wait3A_134, %dma_wait3A_138] : memref<8x128xi32, #tpu.memory_space<vmem>> -> memref<1x128xi32, #tpu.memory_space<vmem>>
      %dma_wait3A_140 = tpu.memref_squeeze %dma_wait3A_139 : memref<1x128xi32, #tpu.memory_space<vmem>> -> memref<128xi32, #tpu.memory_space<vmem>>
      %dma_wait3A_141 = arith.constant 0 : i32
      %dma_wait3A_142 = arith.constant 0 : i32
      %dma_wait3A_143 = tpu.memref_slice %arg5[%dma_wait3A_141, %dma_wait3A_142] : memref<100000x32xf32, #tpu.memory_space<hbm>> -> memref<100000x32xf32, #tpu.memory_space<hbm>>
      tpu.wait_indirect_dma semaphore(%arg15 : memref<!tpu.dma_semaphore, #tpu.memory_space<semaphore_mem>>) src(%dma_wait3A_143 : memref<100000x32xf32, #tpu.memory_space<hbm>>) dst(%dma_wait3A_137 : memref<128x32xf32, #tpu.memory_space<vmem>>)
      %dma_wait3A_144 = arith.constant 4 : i32
      %dma_wait3A_145 = arith.constant 512 : i32
      %dma_wait3A_146 = arith.constant 0 : i32
      %dma_wait3A_147 = tpu.memref_slice %arg12[%dma_wait3A_145, %dma_wait3A_146] : memref<1024x32xf32, #tpu.memory_space<vmem>> -> memref<128x32xf32, #tpu.memory_space<vmem>>
      %dma_wait3A_148 = arith.constant 0 : i32
      %dma_wait3A_149 = tpu.memref_slice %arg11[%dma_wait3A_144, %dma_wait3A_148] : memref<8x128xi32, #tpu.memory_space<vmem>> -> memref<1x128xi32, #tpu.memory_space<vmem>>
      %dma_wait3A_150 = tpu.memref_squeeze %dma_wait3A_149 : memref<1x128xi32, #tpu.memory_space<vmem>> -> memref<128xi32, #tpu.memory_space<vmem>>
      %dma_wait3A_151 = arith.constant 0 : i32
      %dma_wait3A_152 = arith.constant 0 : i32
      %dma_wait3A_153 = tpu.memref_slice %arg5[%dma_wait3A_151, %dma_wait3A_152] : memref<100000x32xf32, #tpu.memory_space<hbm>> -> memref<100000x32xf32, #tpu.memory_space<hbm>>
      tpu.wait_indirect_dma semaphore(%arg15 : memref<!tpu.dma_semaphore, #tpu.memory_space<semaphore_mem>>) src(%dma_wait3A_153 : memref<100000x32xf32, #tpu.memory_space<hbm>>) dst(%dma_wait3A_147 : memref<128x32xf32, #tpu.memory_space<vmem>>)
      %dma_wait3A_154 = arith.constant 5 : i32
      %dma_wait3A_155 = arith.constant 640 : i32
      %dma_wait3A_156 = arith.constant 0 : i32
      %dma_wait3A_157 = tpu.memref_slice %arg12[%dma_wait3A_155, %dma_wait3A_156] : memref<1024x32xf32, #tpu.memory_space<vmem>> -> memref<128x32xf32, #tpu.memory_space<vmem>>
      %dma_wait3A_158 = arith.constant 0 : i32
      %dma_wait3A_159 = tpu.memref_slice %arg11[%dma_wait3A_154, %dma_wait3A_158] : memref<8x128xi32, #tpu.memory_space<vmem>> -> memref<1x128xi32, #tpu.memory_space<vmem>>
      %dma_wait3A_160 = tpu.memref_squeeze %dma_wait3A_159 : memref<1x128xi32, #tpu.memory_space<vmem>> -> memref<128xi32, #tpu.memory_space<vmem>>
      %dma_wait3A_161 = arith.constant 0 : i32
      %dma_wait3A_162 = arith.constant 0 : i32
      %dma_wait3A_163 = tpu.memref_slice %arg5[%dma_wait3A_161, %dma_wait3A_162] : memref<100000x32xf32, #tpu.memory_space<hbm>> -> memref<100000x32xf32, #tpu.memory_space<hbm>>
      tpu.wait_indirect_dma semaphore(%arg15 : memref<!tpu.dma_semaphore, #tpu.memory_space<semaphore_mem>>) src(%dma_wait3A_163 : memref<100000x32xf32, #tpu.memory_space<hbm>>) dst(%dma_wait3A_157 : memref<128x32xf32, #tpu.memory_space<vmem>>)
      %dma_wait3A_164 = arith.constant 6 : i32
      %dma_wait3A_165 = arith.constant 768 : i32
      %dma_wait3A_166 = arith.constant 0 : i32
      %dma_wait3A_167 = tpu.memref_slice %arg12[%dma_wait3A_165, %dma_wait3A_166] : memref<1024x32xf32, #tpu.memory_space<vmem>> -> memref<128x32xf32, #tpu.memory_space<vmem>>
      %dma_wait3A_168 = arith.constant 0 : i32
      %dma_wait3A_169 = tpu.memref_slice %arg11[%dma_wait3A_164, %dma_wait3A_168] : memref<8x128xi32, #tpu.memory_space<vmem>> -> memref<1x128xi32, #tpu.memory_space<vmem>>
      %dma_wait3A_170 = tpu.memref_squeeze %dma_wait3A_169 : memref<1x128xi32, #tpu.memory_space<vmem>> -> memref<128xi32, #tpu.memory_space<vmem>>
      %dma_wait3A_171 = arith.constant 0 : i32
      %dma_wait3A_172 = arith.constant 0 : i32
      %dma_wait3A_173 = tpu.memref_slice %arg5[%dma_wait3A_171, %dma_wait3A_172] : memref<100000x32xf32, #tpu.memory_space<hbm>> -> memref<100000x32xf32, #tpu.memory_space<hbm>>
      tpu.wait_indirect_dma semaphore(%arg15 : memref<!tpu.dma_semaphore, #tpu.memory_space<semaphore_mem>>) src(%dma_wait3A_173 : memref<100000x32xf32, #tpu.memory_space<hbm>>) dst(%dma_wait3A_167 : memref<128x32xf32, #tpu.memory_space<vmem>>)
      %dma_wait3A_174 = arith.constant 7 : i32
      %dma_wait3A_175 = arith.constant 896 : i32
      %dma_wait3A_176 = arith.constant 0 : i32
      %dma_wait3A_177 = tpu.memref_slice %arg12[%dma_wait3A_175, %dma_wait3A_176] : memref<1024x32xf32, #tpu.memory_space<vmem>> -> memref<128x32xf32, #tpu.memory_space<vmem>>
      %dma_wait3A_178 = arith.constant 0 : i32
      %dma_wait3A_179 = tpu.memref_slice %arg11[%dma_wait3A_174, %dma_wait3A_178] : memref<8x128xi32, #tpu.memory_space<vmem>> -> memref<1x128xi32, #tpu.memory_space<vmem>>
      %dma_wait3A_180 = tpu.memref_squeeze %dma_wait3A_179 : memref<1x128xi32, #tpu.memory_space<vmem>> -> memref<128xi32, #tpu.memory_space<vmem>>
      %dma_wait3A_181 = arith.constant 0 : i32
      %dma_wait3A_182 = arith.constant 0 : i32
      %dma_wait3A_183 = tpu.memref_slice %arg5[%dma_wait3A_181, %dma_wait3A_182] : memref<100000x32xf32, #tpu.memory_space<hbm>> -> memref<100000x32xf32, #tpu.memory_space<hbm>>
      tpu.wait_indirect_dma semaphore(%arg15 : memref<!tpu.dma_semaphore, #tpu.memory_space<semaphore_mem>>) src(%dma_wait3A_183 : memref<100000x32xf32, #tpu.memory_space<hbm>>) dst(%dma_wait3A_177 : memref<128x32xf32, #tpu.memory_space<vmem>>)
      %mul3A_184 = arith.constant 8 : i32
      %mul3A_185 = arith.muli %scan3A_20, %mul3A_184 : i32
      %add3A_186 = arith.addi %mul3A_2, %mul3A_185 : i32
      %mul3A_187 = arith.constant 128 : i32
      %mul3A_188 = arith.muli %add3A_186, %mul3A_187 : i32
      "tpu.region"() ({
        %run_scoped3A = tpu.sem_alloc : memref<!tpu.dma_semaphore, #tpu.memory_space<semaphore_mem>>
        %dma_start3A_189 = arith.constant 0 : i32
        %dma_start3A_190 = tpu.memref_slice %arg8[%mul3A_188, %dma_start3A_189] : memref<819200x32xf32, #tpu.memory_space<hbm>> -> memref<1024x32xf32, #tpu.memory_space<hbm>>
        %dma_start3A_191 = arith.constant 0 : i32
        %dma_start3A_192 = tpu.memref_slice %arg8[%mul3A_188, %dma_start3A_191] : memref<819200x32xf32, #tpu.memory_space<hbm>> -> memref<1024x32xf32, #tpu.memory_space<hbm>>
        tpu.enqueue_dma source(%arg12 : memref<1024x32xf32, #tpu.memory_space<vmem>>) target(%dma_start3A_192 : memref<1024x32xf32, #tpu.memory_space<hbm>>) target_semaphore(%run_scoped3A : memref<!tpu.dma_semaphore, #tpu.memory_space<semaphore_mem>>)
        %dma_wait3A_193 = arith.constant 0 : i32
        %dma_wait3A_194 = tpu.memref_slice %arg8[%mul3A_188, %dma_wait3A_193] : memref<819200x32xf32, #tpu.memory_space<hbm>> -> memref<1024x32xf32, #tpu.memory_space<hbm>>
        %dma_wait3A_195 = arith.constant 0 : i32
        %dma_wait3A_196 = tpu.memref_slice %arg8[%mul3A_188, %dma_wait3A_195] : memref<819200x32xf32, #tpu.memory_space<hbm>> -> memref<1024x32xf32, #tpu.memory_space<hbm>>
        tpu.wait_dma2 semaphore(%run_scoped3A : memref<!tpu.dma_semaphore, #tpu.memory_space<semaphore_mem>>) src(%arg12 : memref<1024x32xf32, #tpu.memory_space<vmem>>) dst(%dma_wait3A_196 : memref<1024x32xf32, #tpu.memory_space<hbm>>)
        tpu.yield
      }) : () -> ()
    }
    %scan3A_7 = arith.constant 25 : i32
    %mul3A_8 = arith.constant 128 : i32
    %mul3A_9 = arith.muli %add3A, %mul3A_8 : i32
    "tpu.region"() ({
      %run_scoped3A = tpu.sem_alloc : memref<!tpu.dma_semaphore, #tpu.memory_space<semaphore_mem>>
      %dma_start3A_20 = tpu.memref_slice %arg3[%mul3A_9] : memref<4096xi32, #tpu.memory_space<hbm>> -> memref<128xi32, #tpu.memory_space<hbm>>
      %dma_start3A_21 = tpu.memref_slice %arg3[%mul3A_9] : memref<4096xi32, #tpu.memory_space<hbm>> -> memref<128xi32, #tpu.memory_space<hbm>>
      tpu.enqueue_dma source(%dma_start3A_21 : memref<128xi32, #tpu.memory_space<hbm>>) target(%arg13 : memref<128xi32, #tpu.memory_space<vmem>>) target_semaphore(%run_scoped3A : memref<!tpu.dma_semaphore, #tpu.memory_space<semaphore_mem>>)
      %dma_wait3A_22 = tpu.memref_slice %arg3[%mul3A_9] : memref<4096xi32, #tpu.memory_space<hbm>> -> memref<128xi32, #tpu.memory_space<hbm>>
      %dma_wait3A_23 = tpu.memref_slice %arg3[%mul3A_9] : memref<4096xi32, #tpu.memory_space<hbm>> -> memref<128xi32, #tpu.memory_space<hbm>>
      tpu.wait_dma2 semaphore(%run_scoped3A : memref<!tpu.dma_semaphore, #tpu.memory_space<semaphore_mem>>) src(%dma_wait3A_23 : memref<128xi32, #tpu.memory_space<hbm>>) dst(%arg13 : memref<128xi32, #tpu.memory_space<vmem>>)
      tpu.yield
    }) : () -> ()
    %dma_start3A = arith.constant 0 : i32
    %dma_start3A_10 = arith.constant 0 : i32
    %dma_start3A_11 = tpu.memref_slice %arg6[%dma_start3A, %dma_start3A_10] : memref<100000x32xf32, #tpu.memory_space<hbm>> -> memref<100000x32xf32, #tpu.memory_space<hbm>>
    tpu.enqueue_indirect_dma source(%dma_start3A_11 : memref<100000x32xf32, #tpu.memory_space<hbm>>) target(%arg14 : memref<128x32xf32, #tpu.memory_space<vmem>>) offsets(%arg13 : memref<128xi32, #tpu.memory_space<vmem>>) semaphore(%arg15 : memref<!tpu.dma_semaphore, #tpu.memory_space<semaphore_mem>>)
    %dma_wait3A = arith.constant 0 : i32
    %dma_wait3A_12 = arith.constant 0 : i32
    %dma_wait3A_13 = tpu.memref_slice %arg6[%dma_wait3A, %dma_wait3A_12] : memref<100000x32xf32, #tpu.memory_space<hbm>> -> memref<100000x32xf32, #tpu.memory_space<hbm>>
    tpu.wait_indirect_dma semaphore(%arg15 : memref<!tpu.dma_semaphore, #tpu.memory_space<semaphore_mem>>) src(%dma_wait3A_13 : memref<100000x32xf32, #tpu.memory_space<hbm>>) dst(%arg14 : memref<128x32xf32, #tpu.memory_space<vmem>>)
    "tpu.region"() ({
      %run_scoped3A = tpu.sem_alloc : memref<!tpu.dma_semaphore, #tpu.memory_space<semaphore_mem>>
      %dma_start3A_20 = arith.constant 0 : i32
      %dma_start3A_21 = tpu.memref_slice %arg9[%mul3A_9, %dma_start3A_20] : memref<4096x32xf32, #tpu.memory_space<hbm>> -> memref<128x32xf32, #tpu.memory_space<hbm>>
      %dma_start3A_22 = arith.constant 0 : i32
      %dma_start3A_23 = tpu.memref_slice %arg9[%mul3A_9, %dma_start3A_22] : memref<4096x32xf32, #tpu.memory_space<hbm>> -> memref<128x32xf32, #tpu.memory_space<hbm>>
      tpu.enqueue_dma source(%arg14 : memref<128x32xf32, #tpu.memory_space<vmem>>) target(%dma_start3A_23 : memref<128x32xf32, #tpu.memory_space<hbm>>) target_semaphore(%run_scoped3A : memref<!tpu.dma_semaphore, #tpu.memory_space<semaphore_mem>>)
      %dma_wait3A_24 = arith.constant 0 : i32
      %dma_wait3A_25 = tpu.memref_slice %arg9[%mul3A_9, %dma_wait3A_24] : memref<4096x32xf32, #tpu.memory_space<hbm>> -> memref<128x32xf32, #tpu.memory_space<hbm>>
      %dma_wait3A_26 = arith.constant 0 : i32
      %dma_wait3A_27 = tpu.memref_slice %arg9[%mul3A_9, %dma_wait3A_26] : memref<4096x32xf32, #tpu.memory_space<hbm>> -> memref<128x32xf32, #tpu.memory_space<hbm>>
      tpu.wait_dma2 semaphore(%run_scoped3A : memref<!tpu.dma_semaphore, #tpu.memory_space<semaphore_mem>>) src(%arg14 : memref<128x32xf32, #tpu.memory_space<vmem>>) dst(%dma_wait3A_27 : memref<128x32xf32, #tpu.memory_space<hbm>>)
      tpu.yield
    }) : () -> ()
    "tpu.region"() ({
      %run_scoped3A = tpu.sem_alloc : memref<!tpu.dma_semaphore, #tpu.memory_space<semaphore_mem>>
      %dma_start3A_20 = tpu.memref_slice %arg4[%mul3A_9] : memref<4096xi32, #tpu.memory_space<hbm>> -> memref<128xi32, #tpu.memory_space<hbm>>
      %dma_start3A_21 = tpu.memref_slice %arg4[%mul3A_9] : memref<4096xi32, #tpu.memory_space<hbm>> -> memref<128xi32, #tpu.memory_space<hbm>>
      tpu.enqueue_dma source(%dma_start3A_21 : memref<128xi32, #tpu.memory_space<hbm>>) target(%arg13 : memref<128xi32, #tpu.memory_space<vmem>>) target_semaphore(%run_scoped3A : memref<!tpu.dma_semaphore, #tpu.memory_space<semaphore_mem>>)
      %dma_wait3A_22 = tpu.memref_slice %arg4[%mul3A_9] : memref<4096xi32, #tpu.memory_space<hbm>> -> memref<128xi32, #tpu.memory_space<hbm>>
      %dma_wait3A_23 = tpu.memref_slice %arg4[%mul3A_9] : memref<4096xi32, #tpu.memory_space<hbm>> -> memref<128xi32, #tpu.memory_space<hbm>>
      tpu.wait_dma2 semaphore(%run_scoped3A : memref<!tpu.dma_semaphore, #tpu.memory_space<semaphore_mem>>) src(%dma_wait3A_23 : memref<128xi32, #tpu.memory_space<hbm>>) dst(%arg13 : memref<128xi32, #tpu.memory_space<vmem>>)
      tpu.yield
    }) : () -> ()
    %dma_start3A_14 = arith.constant 0 : i32
    %dma_start3A_15 = arith.constant 0 : i32
    %dma_start3A_16 = tpu.memref_slice %arg7[%dma_start3A_14, %dma_start3A_15] : memref<100000x32xf32, #tpu.memory_space<hbm>> -> memref<100000x32xf32, #tpu.memory_space<hbm>>
    tpu.enqueue_indirect_dma source(%dma_start3A_16 : memref<100000x32xf32, #tpu.memory_space<hbm>>) target(%arg14 : memref<128x32xf32, #tpu.memory_space<vmem>>) offsets(%arg13 : memref<128xi32, #tpu.memory_space<vmem>>) semaphore(%arg15 : memref<!tpu.dma_semaphore, #tpu.memory_space<semaphore_mem>>)
    %dma_wait3A_17 = arith.constant 0 : i32
    %dma_wait3A_18 = arith.constant 0 : i32
    %dma_wait3A_19 = tpu.memref_slice %arg7[%dma_wait3A_17, %dma_wait3A_18] : memref<100000x32xf32, #tpu.memory_space<hbm>> -> memref<100000x32xf32, #tpu.memory_space<hbm>>
    tpu.wait_indirect_dma semaphore(%arg15 : memref<!tpu.dma_semaphore, #tpu.memory_space<semaphore_mem>>) src(%dma_wait3A_19 : memref<100000x32xf32, #tpu.memory_space<hbm>>) dst(%arg14 : memref<128x32xf32, #tpu.memory_space<vmem>>)
    "tpu.region"() ({
      %run_scoped3A = tpu.sem_alloc : memref<!tpu.dma_semaphore, #tpu.memory_space<semaphore_mem>>
      %dma_start3A_20 = arith.constant 0 : i32
      %dma_start3A_21 = tpu.memref_slice %arg10[%mul3A_9, %dma_start3A_20] : memref<4096x32xf32, #tpu.memory_space<hbm>> -> memref<128x32xf32, #tpu.memory_space<hbm>>
      %dma_start3A_22 = arith.constant 0 : i32
      %dma_start3A_23 = tpu.memref_slice %arg10[%mul3A_9, %dma_start3A_22] : memref<4096x32xf32, #tpu.memory_space<hbm>> -> memref<128x32xf32, #tpu.memory_space<hbm>>
      tpu.enqueue_dma source(%arg14 : memref<128x32xf32, #tpu.memory_space<vmem>>) target(%dma_start3A_23 : memref<128x32xf32, #tpu.memory_space<hbm>>) target_semaphore(%run_scoped3A : memref<!tpu.dma_semaphore, #tpu.memory_space<semaphore_mem>>)
      %dma_wait3A_24 = arith.constant 0 : i32
      %dma_wait3A_25 = tpu.memref_slice %arg10[%mul3A_9, %dma_wait3A_24] : memref<4096x32xf32, #tpu.memory_space<hbm>> -> memref<128x32xf32, #tpu.memory_space<hbm>>
      %dma_wait3A_26 = arith.constant 0 : i32
      %dma_wait3A_27 = tpu.memref_slice %arg10[%mul3A_9, %dma_wait3A_26] : memref<4096x32xf32, #tpu.memory_space<hbm>> -> memref<128x32xf32, #tpu.memory_space<hbm>>
      tpu.wait_dma2 semaphore(%run_scoped3A : memref<!tpu.dma_semaphore, #tpu.memory_space<semaphore_mem>>) src(%arg14 : memref<128x32xf32, #tpu.memory_space<vmem>>) dst(%dma_wait3A_27 : memref<128x32xf32, #tpu.memory_space<hbm>>)
      tpu.yield
    }) : () -> ()
    return
  }
}

module attributes {stable_mosaic.version = 14 : i64} {
  func.func @body(%arg0: i32, %arg1: memref<32x32xf32, #tpu.memory_space<vmem>>, %arg2: memref<32x32xf32, #tpu.memory_space<vmem>>, %arg3: memref<32x8xf32, #tpu.memory_space<vmem>>, %arg4: memref<6400x32xf32, #tpu.memory_space<vmem>>, %arg5: memref<32x8x200xf32, #tpu.memory_space<vmem>>, %arg6: memref<32x112x200xf32, #tpu.memory_space<vmem>>) attributes {dimension_semantics = [#tpu.dimension_semantics<arbitrary>], iteration_bounds = array<i64: 128>, scalar_prefetch = 0 : i64, scratch_operands = 0 : i64, tpu.core_type = #tpu.core_type<tc>, window_params = [{transform_indices = @transform_0, window_bounds = array<i64: 32, 32>}, {transform_indices = @transform_1, window_bounds = array<i64: 32, 32>}, {transform_indices = @transform_2, window_bounds = array<i64: 32, 8>}, {transform_indices = @transform_3, window_bounds = array<i64: 6400, 32>}, {transform_indices = @transform_4, window_bounds = array<i64: 32, 8, 200>}, {transform_indices = @transform_5, window_bounds = array<i64: 32, 112, 200>}]} {
    %get3A = arith.constant 0 : index
    %get3A_0 = arith.constant 0 : index
    %get3A_1 = vector.load %arg1[%get3A, %get3A_0] : memref<32x32xf32, #tpu.memory_space<vmem>>, vector<32x32xf32>
    %get3A_2 = arith.constant 0 : index
    %get3A_3 = arith.constant 0 : index
    %get3A_4 = vector.load %arg2[%get3A_2, %get3A_3] : memref<32x32xf32, #tpu.memory_space<vmem>>, vector<32x32xf32>
    %get3A_5 = arith.constant 0 : index
    %get3A_6 = arith.constant 0 : index
    %get3A_7 = vector.load %arg3[%get3A_5, %get3A_6] : memref<32x8xf32, #tpu.memory_space<vmem>>, vector<32x8xf32>
    %concatenate3A = tpu.concatenate %get3A_1, %get3A_4, %get3A_7 in 1 : vector<32x32xf32>, vector<32x32xf32>, vector<32x8xf32> -> vector<32x72xf32>
    %broadcast_in_dim3A = vector.shape_cast %concatenate3A : vector<32x72xf32> to vector<32x72x1xf32>
    %broadcast_in_dim3A_8 = vector.shape_cast %broadcast_in_dim3A : vector<32x72x1xf32> to vector<32x72x1xf32>
    %broadcast_in_dim3A_9 = vector.broadcast %broadcast_in_dim3A_8 : vector<32x72x1xf32> to vector<32x72x200xf32>
    %get3A_10 = arith.constant 0 : index
    %get3A_11 = arith.constant 0 : index
    %get3A_12 = vector.load %arg4[%get3A_10, %get3A_11] : memref<6400x32xf32, #tpu.memory_space<vmem>>, vector<6400x32xf32>
    %reshape3A = vector.shape_cast %get3A_12 : vector<6400x32xf32> to vector<32x200x32xf32>
    %transpose3A = tpu.transpose %reshape3A, [0, 2, 1] : vector<32x200x32xf32> -> vector<32x32x200xf32>
    %get3A_13 = arith.constant 0 : index
    %get3A_14 = arith.constant 0 : index
    %get3A_15 = arith.constant 0 : index
    %get3A_16 = vector.load %arg5[%get3A_13, %get3A_14, %get3A_15] : memref<32x8x200xf32, #tpu.memory_space<vmem>>, vector<32x8x200xf32>
    %concatenate3A_17 = tpu.concatenate %broadcast_in_dim3A_9, %transpose3A, %get3A_16 in 1 : vector<32x72x200xf32>, vector<32x32x200xf32>, vector<32x8x200xf32> -> vector<32x112x200xf32>
    %swap3A = arith.constant 0 : index
    %swap3A_18 = arith.constant 0 : index
    %swap3A_19 = arith.constant 0 : index
    %swap3A_20 = vector.load %arg6[%swap3A, %swap3A_18, %swap3A_19] : memref<32x112x200xf32, #tpu.memory_space<vmem>>, vector<32x112x200xf32>
    tpu.vector_store %arg6[%swap3A, %swap3A_18, %swap3A_19], %concatenate3A_17 {strides = array<i32>} : memref<32x112x200xf32, #tpu.memory_space<vmem>>, vector<32x112x200xf32>,
    return
  }
  func.func @transform_0(%arg0: i32) -> (i32, i32) {
    %c0_i32 = arith.constant 0 : i32
    %c0_i32_0 = arith.constant 0 : i32
    return %arg0, %c0_i32 : i32, i32
  }
  func.func @transform_1(%arg0: i32) -> (i32, i32) {
    %c0_i32 = arith.constant 0 : i32
    %c0_i32_0 = arith.constant 0 : i32
    return %arg0, %c0_i32 : i32, i32
  }
  func.func @transform_2(%arg0: i32) -> (i32, i32) {
    %c0_i32 = arith.constant 0 : i32
    %c0_i32_0 = arith.constant 0 : i32
    return %arg0, %c0_i32 : i32, i32
  }
  func.func @transform_3(%arg0: i32) -> (i32, i32) {
    %c0_i32 = arith.constant 0 : i32
    %c0_i32_0 = arith.constant 0 : i32
    return %arg0, %c0_i32 : i32, i32
  }
  func.func @transform_4(%arg0: i32) -> (i32, i32, i32) {
    %c0_i32 = arith.constant 0 : i32
    %c0_i32_0 = arith.constant 0 : i32
    %c0_i32_1 = arith.constant 0 : i32
    return %arg0, %c0_i32, %c0_i32_0 : i32, i32, i32
  }
  func.func @transform_5(%arg0: i32) -> (i32, i32, i32) {
    %c0_i32 = arith.constant 0 : i32
    %c0_i32_0 = arith.constant 0 : i32
    %c0_i32_1 = arith.constant 0 : i32
    return %arg0, %c0_i32, %c0_i32_0 : i32, i32, i32
  }
}

</mosaic_0001>

<sc_bundles>
// kernel: kernel.4.cloned.1.call-start
scs
__scs_entry_jumppad:
0x0: {  	(pc) =	sbr.rel $0x88, $3  }
0x1: {  	(tag) =	ssettag $0x0;
	lr =	simm.s32 $0x1  }
0x2: {  	[smem:$0x3F9A] =	sst lr;
	_ =	strace $0xD0000000  }
0x3: {  	_ = 	snop  }
0x4: {  	_ = 	snop  }
0x5: {  	_ = 	snop  }
0x6: {  	_ = 	snop  }
0x7: {  	_ = 	snop  }
__scs_overlays_trampoline_lowered:
0x8: {  	[smem:$0x3FA9] =	sst s0  }
0x9: {  	[smem:$0x3FAA] =	sst s1  }
0xa: {  	[smem:$0x3FAB] =	sst s2  }
0xb: {  	[smem:$0x3FAC] =	sst s3  }
0xc: {  	[smem:$0x3FAD] =	sst s4  }
0xd: {  	[smem:$0x3FAE] =	sst s5  }
0xe: {  	[smem:$0x3FAF] =	sst s6  }
0xf: {  	[smem:$0x3FB0] =	sst s7  }
0x10: {  	[smem:$0x3FB1] =	sst s8  }
0x11: {  	[smem:$0x3FB2] =	sst s9;
	s0 =	simm.s32 @!p0 $0x0  }
0x12: {  	s1 =	sld [smem:$0x3F98];
	s0 =	simm.s32 @p0 $0x1  }
0x13: {  	[smem:$0x3FB3] =	sst s0;
	s0 =	simm.s32 @!p1 $0x0  }
0x14: {  	s2 =	sld [smem:$0x3F97];
	s0 =	simm.s32 @p1 $0x1  }
0x15: {  	[smem:$0x3FB4] =	sst s0;
	s0 =	simm.s32 @!p2 $0x0  }
0x16: {  	s3 =	sld [smem:$0x3FDB];
	s0 =	simm.s32 @p2 $0x1  }
0x17: {  	s4 =	simm.s32 $0x1BF5;
	[smem:$0x3FB6] =	sst s0  }
0x18: {  	s0 =	sld [smem:$0x3F99];
	_ =	swait.ge [sflag:s4], $0x0  }
0x19: {  	s7 =	sld [smem:$0x3F9A]  }
0x1a: {  	s8 =	sadd.s32 $0xFFFFE003, lr  }
0x1b: {  	s9 =	sadd.s32 $0xFFFFFEF7, lr;
	s5 =	simm.s32 $0xFFFFFFFF;
	p2 =	slt.u32 s8, $0xFFFFF086  }
0x1c: {  	p1 =	slt.u32 s9, $0xF7A;
	s5 =	simm.s32 @!p2 $0x0  }
0x1d: {  	s5 =	simm.s32 @p1 $0x1;
	p0 =	seq.s32 s7, s2  }
0x1e: {  	s7 =	smul.u32 @!p0 $0xF7A, s2;
	p2 =	seq.s32 @!p0 s5, $0x0  }
0x1f: {  	s9 =	smul.u32 $0xF7A, s1;
	s8 =	simm.s32 @!p0 $0x1BF5;
	p2 =	por !p2, p0  }
0x20: {  	[sflag:s8] =	ssyncset.s32 @!p0 $0xFFFFF086;
	s6 =	sadd.s32 @!p0 s3, s7;
	s7 =	simm.s32 @!p0 $0x108  }
0x21: {  	s3 =	sadd.s32 s3, s9;
	s6 =	sadd.s32 @!p0 $0x88, s6;
	s7 =	simm.s32 @p2 $0x1082  }
0x22: {  	[simem:s7], [sflag:s8] =	dma.local @!p0 [hbm:s6], $0xF7A  }
0x23: {  	s9 =	sor.u32 $0xD0000000, s2;
	s6 =	simm.s32 $0x108;
	_ =	swait.ge @!p0 [sflag:s8], $0x0  }
0x24: {  	s3 =	sadd.s32 $0x88, s3;
	s6 =	simm.s32 @!p1 $0x1082;
	[sflag:s4] =	ssyncset.s32 $0xFFFFF086  }
0x25: {  	[simem:s6], [sflag:s4] =	dma.local [hbm:s3], $0xF7A  }
0x26: {  	[smem:$0x3F9A] =	sst s1;
	(tag) =	ssettag s2;
	_ =	strace s9  }
0x27: {  	s1 =	sld [smem:$0x3FAA]  }
0x28: {  	s2 =	sld [smem:$0x3FAB]  }
0x29: {  	s4 =	sld [smem:$0x3FAD]  }
0x2a: {  	p0 =	seq.s32 s5, $0x0;
	s5 =	sld [smem:$0x3FAE]  }
0x2b: {  	s6 =	sld [smem:$0x3FAF]  }
0x2c: {  	s7 =	sld [smem:$0x3FB0]  }
0x2d: {  	s3 =	simm.s32 $0x108;
	s8 =	sld [smem:$0x3FB1]  }
0x2e: {  	s3 =	simm.s32 @!p0 $0x1082;
	s9 =	sld [smem:$0x3FB2]  }
0x2f: {  	lr =	sadd.s32 s0, s3;
	s0 =	sld [smem:$0x3FA9]  }
0x30: {  	s3 =	sld [smem:$0x3FAC]  }
0x31: {  	[smem:$0x3FB5] =	sst s10  }
0x32: {  	s10 =	sld [smem:$0x3FB3];
	_ =	sdelay $0x3  }
0x33: {  	p0 =	seq.s32 s10, $0x1;
	s10 =	sld [smem:$0x3FB5];
	_ =	sdelay $0x3  }
0x34: {  	[smem:$0x3FB5] =	sst s10  }
0x35: {  	s10 =	sld [smem:$0x3FB4];
	_ =	sdelay $0x3  }
0x36: {  	p1 =	seq.s32 s10, $0x1;
	s10 =	sld [smem:$0x3FB5];
	_ =	sdelay $0x3  }
0x37: {  	[smem:$0x3FB5] =	sst s10  }
0x38: {  	s10 =	sld [smem:$0x3FB6]  }
0x39: {  	_ = 	snop;
	(pc) =	sbr.ind lr, $3  }
0x3a: {  	_ = 	snop  }
0x3b: {  	_ = 	snop  }
0x3c: {  	p2 =	seq.s32 s10, $0x1;
	s10 =	sld [smem:$0x3FB5]  }
0x3d: {  	_ =	shalt  }
0x3e: {  	_ =	shalt  }
0x3f: {  	_ =	shalt  }
0x40: {  	_ =	shalt  }
0x41: {  	_ =	shalt  }
0x42: {  	_ =	shalt  }
0x43: {  	_ =	shalt  }
0x44: {  	_ =	shalt  }
0x45: {  	_ =	shalt  }
0x46: {  	_ =	shalt  }
0x47: {  	_ =	shalt  }
0x48: {  	_ =	shalt  }
0x49: {  	_ =	shalt  }
0x4a: {  	_ =	shalt  }
0x4b: {  	_ =	shalt  }
0x4c: {  	_ =	shalt  }
0x4d: {  	_ =	shalt  }
0x4e: {  	_ =	shalt  }
0x4f: {  	_ =	shalt  }
0x50: {  	_ =	shalt  }
0x51: {  	_ =	shalt  }
0x52: {  	_ =	shalt  }
0x53: {  	_ =	shalt  }
0x54: {  	_ =	shalt  }
0x55: {  	_ =	shalt  }
0x56: {  	_ =	shalt  }
0x57: {  	_ =	shalt  }
0x58: {  	_ =	shalt  }
0x59: {  	_ =	shalt  }
0x5a: {  	_ =	shalt  }
0x5b: {  	_ =	shalt  }
0x5c: {  	_ =	shalt  }
0x5d: {  	_ =	shalt  }
0x5e: {  	_ =	shalt  }
0x5f: {  	_ =	shalt  }
0x60: {  	_ =	shalt  }
0x61: {  	_ =	shalt  }
0x62: {  	_ =	shalt  }
0x63: {  	_ =	shalt  }
0x64: {  	_ =	shalt  }
0x65: {  	_ =	shalt  }
0x66: {  	_ =	shalt  }
0x67: {  	_ =	shalt  }
0x68: {  	_ =	shalt  }
0x69: {  	_ =	shalt  }
0x6a: {  	_ =	shalt  }
0x6b: {  	_ =	shalt  }
0x6c: {  	_ =	shalt  }
0x6d: {  	_ =	shalt  }
0x6e: {  	_ =	shalt  }
0x6f: {  	_ =	shalt  }
0x70: {  	_ =	shalt  }
0x71: {  	_ =	shalt  }
0x72: {  	_ =	shalt  }
0x73: {  	_ =	shalt  }
0x74: {  	_ =	shalt  }
0x75: {  	_ =	shalt  }
0x76: {  	_ =	shalt  }
0x77: {  	_ =	shalt  }
0x78: {  	_ =	shalt  }
0x79: {  	_ =	shalt  }
0x7a: {  	_ =	shalt  }
0x7b: {  	_ =	shalt  }
0x7c: {  	_ =	shalt  }
0x7d: {  	_ =	shalt  }
0x7e: {  	_ =	shalt  }
0x7f: {  	_ =	shalt  }
0x80: {  	_ =	shalt  }
0x81: {  	_ =	shalt  }
0x82: {  	_ =	shalt  }
0x83: {  	_ =	shalt  }
0x84: {  	_ =	shalt  }
0x85: {  	_ =	shalt  }
0x86: {  	_ =	shalt  }
0x87: {  	_ =	shalt  }
.Lfunc_end0:
.L_simem_size_0:
called_computation.1_lowered:
.L_overlay_start_0:
0x88: {  	s2 =	sld [smem:$0x3FD9]  }
0x89: {  	s3 =	sld [smem:$0x3FFE];
	_ =	sdelay $0x1  }
0x8a: {  	s1 =	srdreg.scid  }
0x8b: {  	s0 =	sand.u32 $0x1, s1  }
0x8c: {  	s17 =	sshll.u32 s0, $0xA;
	s2 =	sadd.s32 s3, s2  }
0x8d: {  	s2 =	sadd.s32 s2, s17  }
0x8e: {  	[smem:$0x3FC1] =	sst s2  }
0x8f: {  	_ = 	snop  }
0x90: {  	s2 =	sld [smem:$0x3FD0];
	(tm) =	ssettm $0x1  }
0x91: {  	s18 =	sld [smem:$0x3FFB];
	_ =	sdelay $0x3  }
0x92: {  	_ =	strace s18  }
0x93: {  	s3 =	sld [smem:$0x3FFC];
	_ =	sdelay $0x3  }
0x94: {  	_ =	strace s3  }
0x95: {  	s3 =	sld [smem:$0x3FFD];
	_ =	sdelay $0x3  }
0x96: {  	_ =	strace s3  }
0x97: {  	_ =	strace $0x8FFFFFFF  }
0x98: {  	s19 =	sld [smem:$0x3FDB];
	_ =	sdelay $0x1  }
0x99: {  	s4 =	simm.s32 $_scs_section_size  }
0x9a: {  	s5 =	simm.s32 $_size__tile_overlayer_lowered;
	s6 =	simm.s32 $_tile_overlayer_lowered  }
0x9b: {  	s22 =	simm.s32 $0x1BFF;
	s21 =	sshll.u32 s6, $0x1;
	s3 =	sadd.s32 s4, s19  }
0x9c: {  	s7 =	simm.s32 $0x0;
	s20 =	sshll.u32 s5, $0x1;
	s5 =	sadd.s32 s21, s3  }
0x9d: {  	[timem:s7], [sflag:s22] =	dma.local [hbm:s5], s20  }
0x9e: {  	_ =	swait.ge [sflag:s22], s20  }
0x9f: {  	s4 =	ssub.s32 $0x0, s20;
	[sflag:s22] =	ssyncset.done $0x0  }
0xa0: {  	[sflag:s22] =	ssyncadd.s32 s4;
	_ =	sdelay $0x1  }
0xa1: {  	s23 =	simm.s32 $0x1B8B  }
0xa2: {  	_ =	swait.ge [sflag:s23], $0x1  }
0xa3: {  	[sflag:s23] =	ssyncset.done $0x0  }
0xa4: {  	s25 =	simm.s32 $0x1B8E;
	s24 =	sld [smem:$0x3FFE];
	[sflag:s23] =	ssyncadd.s32 $0xFFFFFFFF  }
0xa5: {  	s26 =	simm.s32 $execute0_lowered;
	[smem:$0x3FD2] =	sst s25  }
0xa6: {  	s5 =	sshll.u32 s26, $0x1;
	_ =	strace $0x80000046;
	[dreg:$0x1] =	wrdreg $0xFFFFFFFF  }
0xa7: {  	s28 =	simm.s32 $_size_execute0_lowered;
	s3 =	sadd.s32 s3, s5;
	[dreg:$0x0] =	wrdreg $0x0  }
0xa8: {  	s5 =	sshll.u32 s28, $0x1;
	[dreg:$0x2] =	wrdreg s3  }
0xa9: {  	[dreg:$0x3] =	wrdreg s5  }
0xaa: {  	[dreg:$0x4] =	wrdreg $0xC0  }
0xab: {  	_ =	task [dreg:s7], $0x5FFFF  }
0xac: {  	[dreg:$0x1] =	wrdreg $0xFFFFFFFF  }
0xad: {  	[dreg:$0x0] =	wrdreg $0x60  }
0xae: {  	[dreg:$0x2] =	wrdreg s24  }
0xaf: {  	[dreg:$0x3] =	wrdreg s2  }
0xb0: {  	[dreg:$0x4] =	wrdreg $0x9  }
0xb1: {  	_ =	task.clear_ibuf [dreg:s7], $0x5FFFF;
	_ =	strace $0x90000046  }
0xb2: {  	s29 =	simm.s32 $0x9;
	_ =	strace $0x80000048  }
0xb3: {  	_ =	swait.ge [sflag:s29], $0x1  }
0xb4: {  	[sflag:s29] =	ssyncadd.s32 $0xFFFFFFFF  }
0xb5: {  	_ =	strace $0x90000048  }
0xb6: {  	_ =	sfence  }
0xb7: {  	s30 =	sld [smem:$0x0];
	_ =	sdelay $0x2  }
0xb8: {  	s31 =	sshll.u32 s1, $0xD;
	s1 =	sshrl.u32 s1, $0x2  }
0xb9: {  	s3 =	sand.u32 $0x4000, s31;
	s1 =	sadd.s32 s1, s30  }
0xba: {  	s0 =	sor.u32 s3, s0;
	s1 =	sshll.u32 s1, $0x11  }
0xbb: {  	s0 =	sor.u32 s1, s0  }
0xbc: {  	s0 =	sadd.s32 $0x8F2B, s0  }
0xbd: {  	[sflag:s0] =	ssyncadd.remote.s32 $0x1  }
0xbe: {  	_ =	sfence.sel $0xFFFF  }
0xbf: {  	[dreg:$0x0] =	wrdreg $0xFFFFFFFF;
	(pc) =	sbr.abs _section_cstart, $3  }
0xc0: {  	[dreg:$0x1] =	wrdreg $0xFFFFFFFF  }
0xc1: {  	_ =	task.clear_ibuf [dreg:s7], $0x2FFFF;
	_ =	strace $0x9FFFFFFF  }
0xc2: {  	(tm) =	ssettm $0x7FFFFFFF  }
0xc3: {  	_ =	shalt  }
tec
execute0_lowered:
.L_overlay_start_1:
0x0: {  	(tag) =	ssettag $0x1  }
0x1: {  	s0 =	srdreg.scid  }
0x2: {  	s9 =	stileid.u32;
	s1 =	rddreg [dreg:$0x0]  }
0x3: {  	s4 =	rddreg [dreg:$0x1];
	s2 =	simm.s32 $0x0;
	s13 =	simm.s32 $0x2  }
0x4: {  	s14 =	simm.s32 $0x80;
	s15 =	simm.s32 $0x400;
	s16 =	simm.s32 $0x1400  }
0x5: {  	s17 =	simm.s32 $0x100;
	s18 =	simm.s32 $0x2400;
	s19 =	simm.s32 $0x180  }
0x6: {  	s28 =	simm.s32 $0x380;
	s29 =	simm.s32 $0x7400;
	s30 =	simm.s32 $0x1  }
0x7: {  	s31 =	simm.s32 $0x8400;
	s0 =	sand.u32 $0x1, s0;
	s3 =	smul.u32 $0xC800, s9  }
0x8: {  	s20 =	sshll.u32 s9, $0x1;
	[smem:$0x7FF] =	sst s2;
	s9 =	smul.u32 $0x32000, s9  }
0x9: {  	s8 =	sadd.s32 $0x1E400, s1;
	s22 =	sadd.s32 $0x80000, s1;
	s5 =	smul.u32 $0x6400, s0  }
0xa: {  	_ =	strace $0x80000047;
	[dreg:$0x3] =	wrdreg s8;
	s23 =	ssub.s32 $0x2, s0  }
0xb: {  	[dreg:$0x4] =	wrdreg s22;
	s22 =	simm.s32 $0x4400;
	s24 =	sshrl.u32 s23, $0x1  }
0xc: {  	s4 =	sadd.s32 s9, s4;
	s3 =	sadd.s32 s5, s3;
	s5 =	sor.u32 s0, s20  }
0xd: {  	s0 =	smul.u32 $0x19000, s0;
	s20 =	simm.s32 $0x3400;
	s3 =	sshrl.u32 s3, $0x3  }
0xe: {  	s21 =	sshll.u32 s5, $0x4;
	s5 =	sshll.u32 s5, $0x9;
	s6 =	sadd.s32 s3, s1  }
0xf: {  	s7 =	sadd.s32 s21, s1;
	s3 =	sadd.s32 $0xE1C00, s1;
	s1 =	sadd.s32 s5, s1  }
0x10: {  	s5 =	ssub.s32 s23, s24;
	s11 =	sadd.s32 s0, s4;
	s21 =	simm.s32 $0x200  }
0x11: {  	s23 =	simm.s32 $0x280;
	s24 =	simm.s32 $0x5400;
	s0 =	simm.s32 $0x0  }
0x12: {  	s25 =	sadd.s32 $0x5200, s7;
	s26 =	sadd.s32 $0x147800, s1;
	s7 =	sadd.s32 $0x5000, s7  }
0x13: {  	s9 =	sadd.s32 $0x143800, s1;
	s10 =	smax.u32 s5, $0x1;
	[dreg:$0x5] =	wrdreg s25  }
0x14: {  	s12 =	sadd.s32 $0x5400, s6;
	s1 =	simm.s32 $0x8480;
	[dreg:$0x6] =	wrdreg s26  }
0x15: {  	[dreg:$0x7] =	wrdreg s7;
	s25 =	simm.s32 $0x300;
	s26 =	simm.s32 $0x6400  }
.LBB2_1:
0x16: {  	s4 =	sadd.s32 $0x0, s12  }
0x17: {  	[tilespmem:s2], [sflag:$0x2] =	stream.linear.gather [hbm4b:s4+s2], $0x400, $0x38;
	[tilespmem:$0x9480] =	vst v63  }
0x18: {  	_ =	swait.ge [sflag:s13], $0x400  }
0x19: {  	[sflag:s13] =	ssyncset.done $0x0  }
0x1a: {  	[sflag:s13] =	ssyncadd.s32 $0xFFFFFC00  }
0x1b: {  	[tilespmem:s15], [sflag:$0x1] =	stream.indirect.gather [hbm4b:s3+s14], $0x20, s2, s14, $0xb8;
	[tilespmem:$0x9480] =	vst v63  }
0x1c: {  	_ = 	snop  }
0x1d: {  	[tilespmem:s16], [sflag:$0x1] =	stream.indirect.gather [hbm4b:s3+s14], $0x20, s14, s14, $0xb8;
	[tilespmem:$0x9480] =	vst v63  }
0x1e: {  	_ = 	snop  }
0x1f: {  	[tilespmem:s18], [sflag:$0x1] =	stream.indirect.gather [hbm4b:s3+s14], $0x20, s17, s14, $0xb8;
	[tilespmem:$0x9480] =	vst v63  }
0x20: {  	_ = 	snop  }
0x21: {  	[tilespmem:s20], [sflag:$0x1] =	stream.indirect.gather [hbm4b:s3+s14], $0x20, s19, s14, $0xb8;
	[tilespmem:$0x9480] =	vst v63  }
0x22: {  	_ = 	snop  }
0x23: {  	[tilespmem:s22], [sflag:$0x1] =	stream.indirect.gather [hbm4b:s3+s14], $0x20, s21, s14, $0xb8;
	[tilespmem:$0x9480] =	vst v63  }
0x24: {  	_ = 	snop  }
0x25: {  	[tilespmem:s24], [sflag:$0x1] =	stream.indirect.gather [hbm4b:s3+s14], $0x20, s23, s14, $0xb8;
	[tilespmem:$0x9480] =	vst v63  }
0x26: {  	_ = 	snop  }
0x27: {  	[tilespmem:s26], [sflag:$0x1] =	stream.indirect.gather [hbm4b:s3+s14], $0x20, s25, s14, $0xb8;
	[tilespmem:$0x9480] =	vst v63  }
0x28: {  	_ = 	snop  }
0x29: {  	[tilespmem:s29], [sflag:$0x1] =	stream.indirect.gather [hbm4b:s3+s14], $0x20, s28, s14, $0xb8;
	[tilespmem:$0x9480] =	vst v63  }
0x2a: {  	_ =	swait.ge [sflag:s30], $0x1000  }
0x2b: {  	[sflag:s30] =	ssyncset.done $0x0  }
0x2c: {  	[sflag:s30] =	ssyncadd.s32 $0xFFFFF000  }
0x2d: {  	_ =	swait.ge [sflag:s30], $0x1000  }
0x2e: {  	[sflag:s30] =	ssyncset.done $0x0  }
0x2f: {  	[sflag:s30] =	ssyncadd.s32 $0xFFFFF000  }
0x30: {  	_ =	swait.ge [sflag:s30], $0x1000  }
0x31: {  	[sflag:s30] =	ssyncset.done $0x0  }
0x32: {  	[sflag:s30] =	ssyncadd.s32 $0xFFFFF000  }
0x33: {  	_ =	swait.ge [sflag:s30], $0x1000  }
0x34: {  	[sflag:s30] =	ssyncset.done $0x0  }
0x35: {  	[sflag:s30] =	ssyncadd.s32 $0xFFFFF000  }
0x36: {  	_ =	swait.ge [sflag:s30], $0x1000  }
0x37: {  	[sflag:s30] =	ssyncset.done $0x0  }
0x38: {  	[sflag:s30] =	ssyncadd.s32 $0xFFFFF000  }
0x39: {  	_ =	swait.ge [sflag:s30], $0x1000  }
0x3a: {  	[sflag:s30] =	ssyncset.done $0x0  }
0x3b: {  	[sflag:s30] =	ssyncadd.s32 $0xFFFFF000  }
0x3c: {  	_ =	swait.ge [sflag:s30], $0x1000  }
0x3d: {  	[sflag:s30] =	ssyncset.done $0x0  }
0x3e: {  	[sflag:s30] =	ssyncadd.s32 $0xFFFFF000  }
0x3f: {  	_ =	swait.ge [sflag:s30], $0x1000  }
0x40: {  	[sflag:s30] =	ssyncset.done $0x0  }
0x41: {  	[sflag:s30] =	ssyncadd.s32 $0xFFFFF000  }
0x42: {  	[hbm4b:s11+s2] =	stream.linear.scatter [tilespmem:s15], [sflag:$0x2], $0x8000, $0x38;
	[tilespmem:$0x9480] =	vst v63  }
0x43: {  	s5 =	simm.s32 $0x80;
	_ =	swait.ge [sflag:s13], $0x8000  }
0x44: {  	s6 =	simm.s32 $0x100;
	s4 =	sadd.s32 $0x1000, s11;
	[sflag:s13] =	ssyncset.done $0x0  }
.LBB2_2:
0x45: {  	s8 =	sadd.s32 s5, s12  }
0x46: {  	[sflag:s13] =	ssyncadd.s32 $0xFFFF8000;
	s5 =	smov.u32 s6;
	s7 =	sadd.s32 $0x80, s6  }
0x47: {  	[tilespmem:s2], [sflag:$0x2] =	stream.linear.gather [hbm4b:s8+s2], $0x400, $0x38;
	[tilespmem:$0x9480] =	vst v63  }
0x48: {  	p0 =	sne.s32 s6, $0xC00;
	_ =	swait.ge [sflag:s13], $0x400  }
0x49: {  	[sflag:s13] =	ssyncset.done $0x0  }
0x4a: {  	[sflag:s13] =	ssyncadd.s32 $0xFFFFFC00  }
0x4b: {  	[tilespmem:s15], [sflag:$0x1] =	stream.indirect.gather [hbm4b:s3+s14], $0x20, s2, s14, $0xb8;
	[tilespmem:$0x9480] =	vst v63  }
0x4c: {  	_ = 	snop  }
0x4d: {  	[tilespmem:s16], [sflag:$0x1] =	stream.indirect.gather [hbm4b:s3+s14], $0x20, s14, s14, $0xb8;
	[tilespmem:$0x9480] =	vst v63  }
0x4e: {  	_ = 	snop  }
0x4f: {  	[tilespmem:s18], [sflag:$0x1] =	stream.indirect.gather [hbm4b:s3+s14], $0x20, s17, s14, $0xb8;
	[tilespmem:$0x9480] =	vst v63  }
0x50: {  	_ = 	snop  }
0x51: {  	[tilespmem:s20], [sflag:$0x1] =	stream.indirect.gather [hbm4b:s3+s14], $0x20, s19, s14, $0xb8;
	[tilespmem:$0x9480] =	vst v63  }
0x52: {  	_ = 	snop  }
0x53: {  	[tilespmem:s22], [sflag:$0x1] =	stream.indirect.gather [hbm4b:s3+s14], $0x20, s21, s14, $0xb8;
	[tilespmem:$0x9480] =	vst v63  }
0x54: {  	_ = 	snop  }
0x55: {  	[tilespmem:s24], [sflag:$0x1] =	stream.indirect.gather [hbm4b:s3+s14], $0x20, s23, s14, $0xb8;
	[tilespmem:$0x9480] =	vst v63  }
0x56: {  	_ = 	snop  }
0x57: {  	[tilespmem:s26], [sflag:$0x1] =	stream.indirect.gather [hbm4b:s3+s14], $0x20, s25, s14, $0xb8;
	[tilespmem:$0x9480] =	vst v63  }
0x58: {  	_ = 	snop  }
0x59: {  	[tilespmem:s29], [sflag:$0x1] =	stream.indirect.gather [hbm4b:s3+s14], $0x20, s28, s14, $0xb8;
	[tilespmem:$0x9480] =	vst v63  }
0x5a: {  	_ =	swait.ge [sflag:s30], $0x1000  }
0x5b: {  	[sflag:s30] =	ssyncset.done $0x0  }
0x5c: {  	[sflag:s30] =	ssyncadd.s32 $0xFFFFF000  }
0x5d: {  	_ =	swait.ge [sflag:s30], $0x1000  }
0x5e: {  	[sflag:s30] =	ssyncset.done $0x0  }
0x5f: {  	[sflag:s30] =	ssyncadd.s32 $0xFFFFF000  }
0x60: {  	_ =	swait.ge [sflag:s30], $0x1000  }
0x61: {  	[sflag:s30] =	ssyncset.done $0x0  }
0x62: {  	[sflag:s30] =	ssyncadd.s32 $0xFFFFF000  }
0x63: {  	_ =	swait.ge [sflag:s30], $0x1000  }
0x64: {  	[sflag:s30] =	ssyncset.done $0x0  }
0x65: {  	[sflag:s30] =	ssyncadd.s32 $0xFFFFF000  }
0x66: {  	_ =	swait.ge [sflag:s30], $0x1000  }
0x67: {  	[sflag:s30] =	ssyncset.done $0x0  }
0x68: {  	[sflag:s30] =	ssyncadd.s32 $0xFFFFF000  }
0x69: {  	_ =	swait.ge [sflag:s30], $0x1000  }
0x6a: {  	[sflag:s30] =	ssyncset.done $0x0  }
0x6b: {  	[sflag:s30] =	ssyncadd.s32 $0xFFFFF000  }
0x6c: {  	_ =	swait.ge [sflag:s30], $0x1000  }
0x6d: {  	[sflag:s30] =	ssyncset.done $0x0  }
0x6e: {  	[sflag:s30] =	ssyncadd.s32 $0xFFFFF000  }
0x6f: {  	_ =	swait.ge [sflag:s30], $0x1000  }
.Ltmp0:
0x70: {  	[sflag:s30] =	ssyncset.done $0x0;
	(pc) =	sbr.rel @p0 .LBB2_2-.Ltmp0, $4  }
0x71: {  	[sflag:s30] =	ssyncadd.s32 $0xFFFFF000  }
0x72: {  	[hbm4b:s4+s2] =	stream.linear.scatter [tilespmem:s15], [sflag:$0x2], $0x8000, $0x38;
	[tilespmem:$0x9480] =	vst v63  }
0x73: {  	_ =	swait.ge [sflag:s13], $0x8000  }
0x74: {  	s6 =	smov.u32 s7;
	s4 =	sadd.s32 $0x1000, s4;
	[sflag:s13] =	ssyncset.done $0x0  }
0x75: {  	s5 =	sadd.s32 s5, s12;
	[sflag:s13] =	ssyncadd.s32 $0xFFFF8000  }
0x76: {  	[tilespmem:s2], [sflag:$0x2] =	stream.linear.gather [hbm4b:s5+s2], $0x400, $0x38;
	[tilespmem:$0x9480] =	vst v63  }
0x77: {  	_ =	swait.ge [sflag:s13], $0x400  }
0x78: {  	[sflag:s13] =	ssyncset.done $0x0  }
0x79: {  	[sflag:s13] =	ssyncadd.s32 $0xFFFFFC00  }
0x7a: {  	[tilespmem:s15], [sflag:$0x1] =	stream.indirect.gather [hbm4b:s3+s14], $0x20, s2, s14, $0xb8;
	[tilespmem:$0x9480] =	vst v63  }
0x7b: {  	_ = 	snop  }
0x7c: {  	[tilespmem:s16], [sflag:$0x1] =	stream.indirect.gather [hbm4b:s3+s14], $0x20, s14, s14, $0xb8;
	[tilespmem:$0x9480] =	vst v63  }
0x7d: {  	_ = 	snop  }
0x7e: {  	[tilespmem:s18], [sflag:$0x1] =	stream.indirect.gather [hbm4b:s3+s14], $0x20, s17, s14, $0xb8;
	[tilespmem:$0x9480] =	vst v63  }
0x7f: {  	_ = 	snop  }
0x80: {  	[tilespmem:s20], [sflag:$0x1] =	stream.indirect.gather [hbm4b:s3+s14], $0x20, s19, s14, $0xb8;
	[tilespmem:$0x9480] =	vst v63  }
0x81: {  	_ = 	snop  }
0x82: {  	[tilespmem:s22], [sflag:$0x1] =	stream.indirect.gather [hbm4b:s3+s14], $0x20, s21, s14, $0xb8;
	[tilespmem:$0x9480] =	vst v63  }
0x83: {  	_ = 	snop  }
0x84: {  	[tilespmem:s24], [sflag:$0x1] =	stream.indirect.gather [hbm4b:s3+s14], $0x20, s23, s14, $0xb8;
	[tilespmem:$0x9480] =	vst v63  }
0x85: {  	_ = 	snop  }
0x86: {  	[tilespmem:s26], [sflag:$0x1] =	stream.indirect.gather [hbm4b:s3+s14], $0x20, s25, s14, $0xb8;
	[tilespmem:$0x9480] =	vst v63  }
0x87: {  	_ = 	snop  }
0x88: {  	[tilespmem:s29], [sflag:$0x1] =	stream.indirect.gather [hbm4b:s3+s14], $0x20, s28, s14, $0xb8;
	[tilespmem:$0x9480] =	vst v63  }
0x89: {  	_ =	swait.ge [sflag:s30], $0x1000  }
0x8a: {  	[sflag:s30] =	ssyncset.done $0x0  }
0x8b: {  	[sflag:s30] =	ssyncadd.s32 $0xFFFFF000  }
0x8c: {  	_ =	swait.ge [sflag:s30], $0x1000  }
0x8d: {  	[sflag:s30] =	ssyncset.done $0x0  }
0x8e: {  	[sflag:s30] =	ssyncadd.s32 $0xFFFFF000  }
0x8f: {  	_ =	swait.ge [sflag:s30], $0x1000  }
0x90: {  	[sflag:s30] =	ssyncset.done $0x0  }
0x91: {  	[sflag:s30] =	ssyncadd.s32 $0xFFFFF000  }
0x92: {  	_ =	swait.ge [sflag:s30], $0x1000  }
0x93: {  	[sflag:s30] =	ssyncset.done $0x0  }
0x94: {  	[sflag:s30] =	ssyncadd.s32 $0xFFFFF000  }
0x95: {  	_ =	swait.ge [sflag:s30], $0x1000  }
0x96: {  	[sflag:s30] =	ssyncset.done $0x0  }
0x97: {  	[sflag:s30] =	ssyncadd.s32 $0xFFFFF000  }
0x98: {  	_ =	swait.ge [sflag:s30], $0x1000  }
0x99: {  	[sflag:s30] =	ssyncset.done $0x0  }
0x9a: {  	[sflag:s30] =	ssyncadd.s32 $0xFFFFF000  }
0x9b: {  	_ =	swait.ge [sflag:s30], $0x1000  }
0x9c: {  	[sflag:s30] =	ssyncset.done $0x0  }
0x9d: {  	[sflag:s30] =	ssyncadd.s32 $0xFFFFF000  }
0x9e: {  	_ =	swait.ge [sflag:s30], $0x1000  }
0x9f: {  	[sflag:s30] =	ssyncset.done $0x0  }
0xa0: {  	[sflag:s30] =	ssyncadd.s32 $0xFFFFF000  }
0xa1: {  	[hbm4b:s4+s2] =	stream.linear.scatter [tilespmem:s15], [sflag:$0x2], $0x8000, $0x38;
	[tilespmem:$0x9480] =	vst v63  }
0xa2: {  	_ =	swait.ge [sflag:s13], $0x8000  }
0xa3: {  	[sflag:s13] =	ssyncset.done $0x0  }
0xa4: {  	s8 =	rddreg [dreg:$0x5];
	[sflag:s13] =	ssyncadd.s32 $0xFFFF8000  }
0xa5: {  	[tilespmem:s31], [sflag:$0x2] =	stream.linear.gather [hbm4b:s8+s2], $0x80, $0x38;
	[tilespmem:$0x9480] =	vst v63  }
0xa6: {  	_ =	swait.ge [sflag:s13], $0x80  }
0xa7: {  	[sflag:s13] =	ssyncset.done $0x0  }
0xa8: {  	s5 =	rddreg [dreg:$0x3];
	[sflag:s13] =	ssyncadd.s32 $0xFFFFFF80  }
0xa9: {  	[tilespmem:s1], [sflag:$0x1] =	stream.indirect.gather [hbm4b:s5+s14], $0x20, s31, s14, $0xb8;
	[tilespmem:$0x9480] =	vst v63  }
0xaa: {  	_ =	swait.ge [sflag:s30], $0x1000  }
0xab: {  	[sflag:s30] =	ssyncset.done $0x0  }
0xac: {  	s6 =	rddreg [dreg:$0x6];
	[sflag:s30] =	ssyncadd.s32 $0xFFFFF000  }
0xad: {  	[hbm4b:s6+s2] =	stream.linear.scatter [tilespmem:s1], [sflag:$0x2], $0x1000, $0x38;
	[tilespmem:$0x9480] =	vst v63  }
0xae: {  	_ =	swait.ge [sflag:s13], $0x1000  }
0xaf: {  	[sflag:s13] =	ssyncset.done $0x0  }
0xb0: {  	s7 =	rddreg [dreg:$0x7];
	[sflag:s13] =	ssyncadd.s32 $0xFFFFF000  }
0xb1: {  	[tilespmem:s31], [sflag:$0x2] =	stream.linear.gather [hbm4b:s7+s2], $0x80, $0x38;
	[tilespmem:$0x9480] =	vst v63  }
0xb2: {  	_ =	swait.ge [sflag:s13], $0x80  }
0xb3: {  	[sflag:s13] =	ssyncset.done $0x0  }
0xb4: {  	s8 =	rddreg [dreg:$0x4];
	[sflag:s13] =	ssyncadd.s32 $0xFFFFFF80  }
0xb5: {  	[tilespmem:s1], [sflag:$0x1] =	stream.indirect.gather [hbm4b:s8+s14], $0x20, s31, s14, $0xb8;
	[tilespmem:$0x9480] =	vst v63  }
0xb6: {  	s0 =	sadd.s32 $0x1, s0;
	_ =	swait.ge [sflag:s30], $0x1000  }
0xb7: {  	p0 =	sne.s32 s0, s10;
	[sflag:s30] =	ssyncset.done $0x0  }
.Ltmp1:
0xb8: {  	[sflag:s30] =	ssyncadd.s32 $0xFFFFF000;
	(pc) =	sbr.rel @p0 .LBB2_1-.Ltmp1, $4  }
0xb9: {  	[hbm4b:s9+s2] =	stream.linear.scatter [tilespmem:s1], [sflag:$0x2], $0x1000, $0x38;
	[tilespmem:$0x9480] =	vst v63  }
0xba: {  	_ =	swait.ge [sflag:s13], $0x1000  }
0xbb: {  	[sflag:s13] =	ssyncset.done $0x0  }
0xbc: {  	[sflag:s13] =	ssyncadd.s32 $0xFFFFF000  }
0xbd: {  	_ =	sfence.sel $0x180000  }
0xbe: {  	[bflag:$0x0] =	sbarrier.arrive $0xFFFF  }
0xbf: {  	_ =	strace $0x90000047  }
0xc0: {  	s0 =	stileid.u32;
	[bflag:$0x2] =	sbarrier.arrive $0xFFFF  }
0xc1: {  	p0 =	sne.s32 s0, $0x0;
	s0 =	rddreg [dreg:$0x2]  }
0xc2: {  	s0 =	sadd.s32 @!p0 $0x100000, s0  }
0xc3: {  	[sflag:s0] =	ssyncadd.tile.s32 @!p0 $0x1;
	_ =	shalt  }
.Lfunc_end2:
_tile_overlayer_lowered:
.L_overlay_start_2:
0xc4: {  	(tag) =	ssettag $0x2  }
0xc5: {  	s0 =	rddreg [dreg:$0x0];
	s2 =	stileid.u32  }
0xc6: {  	s1 =	rddreg [dreg:$0x1];
	p0 =	sne.s32 s2, $0x0  }
0xc7: {  	s3 =	rddreg [dreg:$0x2];
	[bflag:$0x3] =	sbarrier.arrive $0xFFFF;
	s2 =	simm.s32 @!p0 $0x1C02  }
0xc8: {  	[timem:s3], [sflag:s2] =	dma.local @!p0 [hbm:s0], s1  }
0xc9: {  	s0 =	simm.s32 @!p0 $0x2  }
0xca: {  	_ =	swait.ge @!p0 [sflag:s0], s1  }
0xcb: {  	s1 =	ssub.s32 @!p0 $0x0, s1;
	[sflag:s0] =	ssyncset.done @!p0 $0x0  }
0xcc: {  	[sflag:s0] =	ssyncadd.s32 @!p0 s1  }
0xcd: {  	[bflag:$0x3] =	sbarrier.arrive $0xFFFF  }
0xce: {  	_ =	shalt  }

// kernel: sparse-core-data-format-call.cloned.1.call-start
scs
called_computation_lowered:
.L_overlay_start_0:
0x0: {  	s2 =	sld [smem:$0x3FD9]  }
0x1: {  	s3 =	sld [smem:$0x3FFE];
	_ =	sdelay $0x1  }
0x2: {  	s1 =	srdreg.scid  }
0x3: {  	s0 =	sand.u32 $0x1, s1  }
0x4: {  	s18 =	sshll.u32 s0, $0xA;
	s2 =	sadd.s32 s3, s2  }
0x5: {  	s2 =	sadd.s32 s2, s18  }
0x6: {  	[smem:$0x3FC1] =	sst s2  }
0x7: {  	_ = 	snop  }
0x8: {  	s2 =	sld [smem:$0x3FD0];
	(tm) =	ssettm $0x1  }
0x9: {  	s19 =	sld [smem:$0x3FFB];
	_ =	sdelay $0x3  }
0xa: {  	_ =	strace s19  }
0xb: {  	s3 =	sld [smem:$0x3FFC];
	_ =	sdelay $0x3  }
0xc: {  	_ =	strace s3  }
0xd: {  	s3 =	sld [smem:$0x3FFD];
	_ =	sdelay $0x3  }
0xe: {  	_ =	strace s3  }
0xf: {  	_ =	strace $0x8FFFFFFF  }
0x10: {  	s20 =	sld [smem:$0x3FDB];
	_ =	sdelay $0x1  }
0x11: {  	s4 =	simm.s32 $_scs_section_size  }
0x12: {  	s5 =	simm.s32 $_size__tile_overlayer_lowered;
	s6 =	simm.s32 $_tile_overlayer_lowered  }
0x13: {  	s23 =	simm.s32 $0x1BFF;
	s22 =	sshll.u32 s6, $0x1;
	s3 =	sadd.s32 s4, s20  }
0x14: {  	s7 =	simm.s32 $0x0;
	s21 =	sshll.u32 s5, $0x1;
	s5 =	sadd.s32 s22, s3  }
0x15: {  	[timem:s7], [sflag:s23] =	dma.local [hbm:s5], s21  }
0x16: {  	_ =	swait.ge [sflag:s23], s21  }
0x17: {  	s4 =	ssub.s32 $0x0, s21;
	[sflag:s23] =	ssyncset.done $0x0  }
0x18: {  	[sflag:s23] =	ssyncadd.s32 s4;
	_ =	sdelay $0x1  }
0x19: {  	s24 =	simm.s32 $0x1B8B  }
0x1a: {  	_ =	swait.ge [sflag:s24], $0x1  }
0x1b: {  	[sflag:s24] =	ssyncset.done $0x0  }
0x1c: {  	s26 =	simm.s32 $0x1B8E;
	s25 =	sld [smem:$0x3FFE];
	[sflag:s24] =	ssyncadd.s32 $0xFFFFFFFF  }
0x1d: {  	s27 =	simm.s32 $execute0_lowered;
	[smem:$0x3FD2] =	sst s26  }
0x1e: {  	s5 =	sshll.u32 s27, $0x1;
	_ =	strace $0x80000049;
	[dreg:$0x1] =	wrdreg $0xFFFFFFFF  }
0x1f: {  	s28 =	simm.s32 $_size_execute0_lowered;
	s3 =	sadd.s32 s3, s5;
	[dreg:$0x0] =	wrdreg $0x0  }
0x20: {  	s5 =	sshll.u32 s28, $0x1;
	[dreg:$0x2] =	wrdreg s3  }
0x21: {  	[dreg:$0x3] =	wrdreg s5  }
0x22: {  	[dreg:$0x4] =	wrdreg $0xC0  }
0x23: {  	_ =	task [dreg:s7], $0x5FFFF  }
0x24: {  	[dreg:$0x1] =	wrdreg $0xFFFFFFFF  }
0x25: {  	[dreg:$0x0] =	wrdreg $0x60  }
0x26: {  	[dreg:$0x2] =	wrdreg s25  }
0x27: {  	[dreg:$0x3] =	wrdreg s2  }
0x28: {  	[dreg:$0x4] =	wrdreg $0x9  }
0x29: {  	_ =	task.clear_ibuf [dreg:s7], $0x5FFFF;
	_ =	strace $0x90000049  }
0x2a: {  	s29 =	simm.s32 $0x9;
	_ =	strace $0x8000004B  }
0x2b: {  	_ =	swait.ge [sflag:s29], $0x1  }
0x2c: {  	[sflag:s29] =	ssyncadd.s32 $0xFFFFFFFF  }
0x2d: {  	_ =	strace $0x9000004B  }
0x2e: {  	_ =	sfence  }
0x2f: {  	s30 =	sld [smem:$0x0];
	_ =	sdelay $0x2  }
0x30: {  	s31 =	sshll.u32 s1, $0xD;
	s1 =	sshrl.u32 s1, $0x2  }
0x31: {  	s3 =	sand.u32 $0x4000, s31;
	s1 =	sadd.s32 s1, s30  }
0x32: {  	s0 =	sor.u32 s3, s0;
	s1 =	sshll.u32 s1, $0x11  }
0x33: {  	s0 =	sor.u32 s1, s0  }
0x34: {  	s0 =	sadd.s32 $0x8F2B, s0  }
0x35: {  	[sflag:s0] =	ssyncadd.remote.s32 $0x1  }
0x36: {  	_ =	sfence.sel $0xFFFF  }
0x37: {  	[dreg:$0x0] =	wrdreg $0xFFFFFFFF;
	(pc) =	sbr.abs _section_cstart, $3  }
0x38: {  	[dreg:$0x1] =	wrdreg $0xFFFFFFFF  }
0x39: {  	_ =	task.clear_ibuf [dreg:s7], $0x2FFFF;
	_ =	strace $0x9FFFFFFF  }
0x3a: {  	(tm) =	ssettm $0x7FFFFFFF  }
0x3b: {  	_ =	shalt  }
tec
execute0_lowered:
.L_overlay_start_1:
0x0: {  	(tag) =	ssettag $0x1  }
0x1: {  	s0 =	srdreg.scid;
	s6 =	rddreg [dreg:$0x0]  }
0x2: {  	s3 =	rddreg [dreg:$0x1];
	s1 =	sshll.u32 s0, $0x4  }
0x3: {  	s5 =	simm.s32 $0x1;
	s0 =	stileid.u32;
	s1 =	sand.u32 $0x10, s1  }
0x4: {  	s31 =	simm.s32 $0x2;
	s18 =	simm.s32 $0x0;
	s1 =	sor.u32 s0, s1  }
0x5: {  	s8 =	simm.s32 $0x70000;
	s17 =	simm.s32 $0x0;
	s2 =	sshll.u32 s1, $0x7  }
0x6: {  	s16 =	simm.s32 $0x0;
	s9 =	simm.s32 $0x0;
	s4 =	ssub.s32 $0x1000, s2  }
0x7: {  	s10 =	simm.s32 $0x0;
	s11 =	simm.s32 $0x0;
	s30 =	sand.u32 $0xF80, s4  }
0x8: {  	s12 =	simm.s32 $0x0;
	s13 =	simm.s32 $0x0;
	p0 =	sne.s32 s30, $0x0  }
.Ltmp0:
0x9: {  	s7 =	sshrl.u32 s4, $0xC;
	s5 =	simm.s32 @!p0 $0x0;
	(pc) =	sbr.rel .LBB1_1-.Ltmp0, $4  }
0xa: {  	s15 =	simm.s32 $0x0;
	s1 =	rddreg [dreg:$0x2];
	s5 =	sadd.s32 s5, s7  }
0xb: {  	_ =	strace $0x8000004A;
	s4 =	simm.s32 $0x1;
	s5 =	smul.u32 $0xE0, s5  }
0xc: {  	s6 =	sadd.s32 $0xEDB800, s6;
	s14 =	smov.u32 s2;
	[sflag:s4] =	ssyncpa.u1 $0x0  }
0xd: {  	[sflag:s31] =	ssyncpa.u1 $0x0;
	p0 =	por $0x0, $0x0;
	s7 =	sor.u32 $0x1, s5  }
.LBB1_4:
0xe: {  	s23 =	sshra.s32 s23, $0x2;
	s24 =	sshll.u32 s10, $0xC  }
0xf: {  	p1 =	sgt.s32 s10, $0x6F;
	s26 =	smov.u32 s10;
	s27 =	sshra.s32 s10, $0x1F  }
0x10: {  	s28 =	smov.u32 s9;
	s29 =	sshra.s32 s11, $0x1F;
	s22 =	sadd.s32 s23, s22  }
0x11: {  	s30 =	sand.u32 $0xFFFF8000, s24;
	s24 =	sshll.u32 s11, $0x3;
	s26 =	simm.s32 @!p1 $0x6F  }
0x12: {  	p1 =	sgt.s32 s9, $0x48;
	s27 =	sand.u32 s27, s10;
	s31 =	sand.u32 s29, s11  }
0x13: {  	s29 =	sshll.u32 s10, $0x7;
	s25 =	sand.u32 $0xFFFFFC00, s24;
	s28 =	simm.s32 @!p1 $0x48  }
0x14: {  	p1 =	sgt.s32 s11, $0xF80;
	s23 =	sadd.s32 s25, s30;
	s25 =	ssub.s32 s26, s27  }
0x15: {  	[tilespmem:s21+$0x2040 ss:$0x81] =	vst.msk $0xffff, v4;
	s27 =	smov.u32 s11;
	s30 =	sshra.s32 s9, $0x1F;
	s26 =	sadd.s32 $0xFFFFFF91, s25  }
0x16: {  	v5 =	vld [tilespmem:s20+$0xFFFFFFD0];
	[tilespmem:s21+$0x2850 ss:$0x81] =	vst.msk $0xffff, v3;
	s27 =	simm.s32 @!p1 $0xF80;
	s23 =	sshrl.u32 s23, $0xC;
	s25 =	ssub.s32 $0x70, s25  }
0x17: {  	v58 =	vld [tilespmem:s20+$0xFFFFFFE0];
	[tilespmem:s21+$0x3060 ss:$0x81] =	vst.msk $0xffff, v2;
	p1 =	sgt.s32 s26, $0x0;
	s26 =	ssub.s32 s27, s31;
	s27 =	sand.u32 s30, s9  }
0x18: {  	v59 =	vld [tilespmem:s20+$0xFFFFFFF0];
	[tilespmem:s21+$0x0 ss:$0x81] =	vst.msk $0xffff, v1;
	s21 =	smulhi.u32 $0x2492493, s23;
	s30 =	sand.u32 $0x78, s11;
	s27 =	ssub.s32 s28, s27  }
0x19: {  	v60 =	vld [tilespmem:s20+$0x0];
	s25 =	simm.s32 @p1 $0x0;
	s31 =	sadd.s32 $0xFFFFF080, s26;
	s26 =	ssub.s32 $0x1000, s26  }
0x1a: {  	v61 =	vld [tilespmem:s20+$0x10];
	[tilespmem:s22+$0x3870 ss:$0x81] =	vst.msk $0xffff, v0;
	p1 =	sgt.s32 s31, $0x7F;
	s28 =	sadd.s32 $0xFFFFFFB8, s27;
	s31 =	sand.u32 $0x380, s29  }
0x1b: {  	v62 =	vld [tilespmem:s20+$0x20];
	[tilespmem:s22+$0x810 ss:$0x81] =	vst.msk $0xffff, v5;
	s29 =	sand.u32 $0xC00, s24;
	s21 =	smul.u32 $0x70, s21;
	s24 =	ssub.s32 $0xC8, s27  }
0x1c: {  	v63 =	vld [tilespmem:s20+$0xFFFFFFC0];
	[tilespmem:s22+$0x1020 ss:$0x81] =	vst.msk $0xffff, v58;
	s26 =	simm.s32 @p1 $0x0;
	s20 =	sor.u32 s30, s29;
	s30 =	smul.u32 $0xE000, s9  }
0x1d: {  	[tilespmem:s22+$0x1830 ss:$0x81] =	vst.msk $0xffff, v59;
	p1 =	sgt.s32 s28, $0x7F;
	s28 =	sand.u32 $0x7, s11;
	s25 =	smul.u32 s26, s25  }
0x1e: {  	[tilespmem:s22+$0x2040 ss:$0x81] =	vst.msk $0xffff, v60;
	s24 =	simm.s32 @p1 $0x0;
	s20 =	sor.u32 s31, s20;
	s21 =	ssub.s32 s23, s21  }
0x1f: {  	[tilespmem:s22+$0x2850 ss:$0x81] =	vst.msk $0xffff, v61;
	s20 =	sshrl.u32 s20, $0x3;
	s27 =	sadd.s32 s3, s30;
	s31 =	smul.u32 s24, s25  }
0x20: {  	[tilespmem:s22+$0x3060 ss:$0x81] =	vst.msk $0xffff, v62;
	s29 =	sshll.u32 s28, $0x12;
	s21 =	sshll.u32 s21, $0x9;
	s20 =	sadd.s32 s20, s27  }
0x21: {  	[tilespmem:s22+$0x0 ss:$0x81] =	vst.msk $0xffff, v63;
	s20 =	sadd.s32 s21, s20;
	s30 =	sand.u32 $0x3FFFFFFF, s31;
	s31 =	sor.u32 $0x80, s29  }
0x22: {  	[hbm4b:s20+s31] =	stream.strided.scatter [tilespmem:s19], [sflag:$0x2], s30, s8, s31, $0x20;
	[tilespmem:$0x10100] =	vst v63  }
.LBB1_5:
0x23: {  	p1 =	slt.u32 s15, $0x2  }
0x24: {  	p2 =	sgt.s32 @!p1 s18, $0x48  }
0x25: {  	s19 =	smov.u32 s18;
	s20 =	sshra.s32 @!p1 s18, $0x1F;
	p2 =	por !p2, p1  }
0x26: {  	s18 =	sand.u32 @!p1 s20, s18;
	s19 =	simm.s32 @p2 $0x48  }
0x27: {  	s20 =	sshra.s32 @!p1 s17, $0x1F;
	p2 =	sgt.s32 @!p1 s17, $0x6F;
	s18 =	ssub.s32 @!p1 s19, s18  }
0x28: {  	p2 =	por !p2, p1;
	s19 =	smov.u32 s17;
	s17 =	sand.u32 @!p1 s20, s17  }
0x29: {  	s20 =	sshra.s32 @!p1 s16, $0x1F;
	s19 =	simm.s32 @p2 $0x6F;
	p2 =	sgt.s32 @!p1 s16, $0xF80  }
0x2a: {  	s17 =	ssub.s32 @!p1 s19, s17;
	p2 =	por !p2, p1;
	s19 =	smov.u32 s16  }
0x2b: {  	s16 =	sand.u32 @!p1 s20, s16;
	s20 =	sadd.s32 @!p1 $0xFFFFFF91, s17;
	s19 =	simm.s32 @p2 $0xF80  }
0x2c: {  	p2 =	sgt.s32 @!p1 s20, $0x0;
	s16 =	ssub.s32 @!p1 s19, s16  }
0x2d: {  	s17 =	ssub.s32 @!p1 $0x70, s17;
	p2 =	por !p2, p1;
	s19 =	sadd.s32 @!p1 $0xFFFFF080, s16  }
0x2e: {  	s17 =	simm.s32 @!p2 $0x0;
	p2 =	sgt.s32 @!p1 s19, $0x7F  }
0x2f: {  	s21 =	smov.u32 s14;
	s16 =	ssub.s32 @!p1 $0x1000, s16;
	p2 =	por !p2, p1  }
0x30: {  	s20 =	sadd.s32 @!p1 $0xFFFFFFB8, s18;
	s19 =	sadd.s32 $0x80, s12;
	s16 =	simm.s32 @!p2 $0x0  }
0x31: {  	p2 =	sgt.s32 s19, $0xC7;
	s16 =	smul.u32 @!p1 s16, s17;
	s17 =	simm.s32 $0x1  }
0x32: {  	p0 =	por !p0, !p0;
	p3 =	sgt.s32 @!p1 s20, $0x7F;
	s17 =	simm.s32 @!p2 $0x0  }
0x33: {  	s18 =	ssub.s32 @!p1 $0xC8, s18;
	p3 =	por !p3, p1;
	s20 =	sadd.s32 s17, s13  }
0x34: {  	s18 =	simm.s32 @!p3 $0x0;
	s17 =	sadd.s32 $0x1000, s14;
	p3 =	sgt.s32 s20, $0x6F  }
0x35: {  	s22 =	simm.s32 @!p1 $0x2;
	s19 =	simm.s32 @p2 $0x0;
	s21 =	smov.u32 @p3 s17  }
0x36: {  	s16 =	smul.u32 @!p1 s18, s16;
	s18 =	smov.u32 s9;
	p2 =	sgt.s32 s21, $0xFFF  }
0x37: {  	s9 =	smov.u32 s12;
	s21 =	smov.u32 @p2 s2;
	p2 =	sne.s32 s15, s7  }
.Ltmp1:
0x38: {  	s12 =	smov.u32 s19;
	s16 =	sand.u32 @!p1 $0x3FFFFFFF, s16;
	(pc) =	sbr.rel @!p2 .LBB1_6-.Ltmp1, $4  }
0x39: {  	s20 =	simm.s32 @p3 $0x0;
	s17 =	smov.u32 s10;
	s10 =	smov.u32 s13  }
0x3a: {  	_ =	swait.ge @!p1 [sflag:s22], s16;
	s23 =	ssub.s32 @!p1 $0x0, s16;
	s16 =	smov.u32 s11  }
0x3b: {  	s11 =	smov.u32 s14;
	s13 =	smov.u32 s20;
	[sflag:s22] =	ssyncset.done @!p1 $0x0  }
0x3c: {  	s15 =	sadd.s32 $0x1, s15;
	[sflag:s22] =	ssyncadd.s32 @!p1 s23;
	s14 =	smov.u32 s21  }
.LBB1_1:
0x3d: {  	p1 =	sge.u32 s15, s5  }
0x3e: {  	s19 =	sshll.u32 @!p1 s13, $0x8;
	s20 =	sshll.u32 @!p1 s12, $0x3  }
0x3f: {  	s21 =	sshll.u32 @!p1 s13, $0x7;
	s19 =	sand.u32 @!p1 $0xFFFFF800, s19;
	s20 =	sand.u32 @!p1 $0xFFFFFC00, s20  }
0x40: {  	s19 =	sadd.s32 @!p1 s19, s20;
	s20 =	sand.u32 @!p1 $0x300, s21  }
0x41: {  	s19 =	sor.u32 @!p1 s20, s19  }
0x42: {  	s19 =	sshrl.u32 @!p1 s19, $0x8  }
0x43: {  	s31 =	sadd.s32 $0xFFFFFFFF, s15;
	s20 =	smulhi.u32 @!p1 $0x2492493, s19  }
0x44: {  	s22 =	sxor.u32 @!p1 $0xFFFFFFFF, s15;
	s23 =	sand.u32 @!p1 $0x78, s12;
	s24 =	smul.u32 @!p1 $0xE00, s14  }
0x45: {  	s22 =	sshll.u32 @!p1 s22, $0xE;
	s21 =	sand.u32 @!p1 $0x80, s21;
	s20 =	smul.u32 @!p1 $0x70, s20  }
0x46: {  	s22 =	sand.u32 @!p1 $0x4000, s22;
	s21 =	sor.u32 @!p1 s23, s21;
	s23 =	sand.u32 @!p1 $0x7, s12  }
0x47: {  	s19 =	ssub.s32 @!p1 s19, s20;
	s20 =	sshrl.u32 @!p1 s21, $0x3;
	s21 =	sadd.s32 @!p1 s6, s24  }
0x48: {  	s19 =	sshll.u32 @!p1 s19, $0x5;
	s20 =	sadd.s32 @!p1 s20, s21;
	s21 =	sshll.u32 @!p1 s23, $0x12  }
0x49: {  	s19 =	sadd.s32 @!p1 s19, s20;
	s20 =	sor.u32 @!p1 $0x80, s21;
	s21 =	simm.s32 @!p1 $0x7000  }
0x4a: {  	[tilespmem:s22], [sflag:$0x1] =	stream.strided.gather @!p1 [hbm4b:s19+s20], $0x4000, s21, s20, $0x38;
	[tilespmem:$0x10100] =	vst v63  }
0x4b: {  	p1 =	sge.u32 s31, s5  }
.Ltmp2:
0x4c: {  	_ = 	snop;
	(pc) =	sbr.rel @p1 .LBB1_5-.Ltmp2, $1  }
0x4d: {  	_ =	sdelay $0x3  }
0x4e: {  	s19 =	simm.s32 $0x1  }
0x4f: {  	_ =	swait.ge [sflag:s4], $0x4000;
	s19 =	simm.s32 @!p0 $0x0  }
0x50: {  	[sflag:s4] =	ssyncset.done $0x0;
	s20 =	sshll.u32 s19, $0xE  }
0x51: {  	[sflag:s4] =	ssyncadd.s32 $0xFFFFC000;
	s20 =	sor.u32 $0x40, s20  }
0x52: {  	s19 =	smul.u32 $0x10200, s19;
	v0 =	vld [tilespmem:s20+$0x30]  }
0x53: {  	v1 =	vld [tilespmem:s20+$0xFFFFFFD0]  }
0x54: {  	s19 =	sshrl.u32 s19, $0x2;
	v5 =	vld [tilespmem:s20+$0xFFFFFFE0]  }
0x55: {  	v6 =	vld [tilespmem:s20+$0xFFFFFFF0];
	s22 =	sor.u32 $0x8000, s19  }
0x56: {  	s31 =	sand.u32 $0x1, s15;
	v4 =	vld [tilespmem:s20+$0x0];
	s21 =	sadd.s32 $0x0, s22  }
0x57: {  	v3 =	vld [tilespmem:s20+$0x10];
	s19 =	smul.u32 $0x10200, s31;
	[tilespmem:s21+$0x3870 ss:$0x81] =	vst.msk $0xffff, v0  }
0x58: {  	v2 =	vld [tilespmem:s20+$0x20];
	[tilespmem:s21+$0x810 ss:$0x81] =	vst.msk $0xffff, v1  }
0x59: {  	s19 =	sshrl.u32 s19, $0x2;
	v1 =	vld [tilespmem:s20+$0xFFFFFFC0];
	[tilespmem:s21+$0x1020 ss:$0x81] =	vst.msk $0xffff, v5;
	s20 =	sadd.s32 $0x80, s20  }
0x5a: {  	s23 =	simm.s32 $0x4;
	s24 =	simm.s32 $0x8;
	s19 =	sor.u32 $0x8000, s19;
	[tilespmem:s21+$0x1830 ss:$0x81] =	vst.msk $0xffff, v6;
	v0 =	vld [tilespmem:s20+$0x30]  }
.LBB1_3:
0x5b: {  	p1 =	sne.s32 s24, $0x1FC;
	v5 =	vld [tilespmem:s20+$0xFFFFFFD0];
	[tilespmem:s21+$0x2040 ss:$0x81] =	vst.msk $0xffff, v4  }
0x5c: {  	v6 =	vld [tilespmem:s20+$0xFFFFFFE0];
	[tilespmem:s21+$0x2850 ss:$0x81] =	vst.msk $0xffff, v3  }
0x5d: {  	s25 =	sshra.s32 s23, $0x2;
	s23 =	smov.u32 s24;
	v7 =	vld [tilespmem:s20+$0xFFFFFFF0];
	[tilespmem:s21+$0x3060 ss:$0x81] =	vst.msk $0xffff, v2  }
.Ltmp3:
0x5e: {  	v4 =	vld [tilespmem:s20+$0x0];
	[tilespmem:s21+$0x0 ss:$0x81] =	vst.msk $0xffff, v1;
	s21 =	sadd.s32 s25, s22;
	(pc) =	sbr.rel @p1 .LBB1_3-.Ltmp3, $4  }
0x5f: {  	v3 =	vld [tilespmem:s20+$0x10];
	[tilespmem:s21+$0x3870 ss:$0x81] =	vst.msk $0xffff, v0  }
0x60: {  	[tilespmem:s21+$0x810 ss:$0x81] =	vst.msk $0xffff, v5;
	v2 =	vld [tilespmem:s20+$0x20]  }
0x61: {  	v1 =	vld [tilespmem:s20+$0xFFFFFFC0];
	[tilespmem:s21+$0x1020 ss:$0x81] =	vst.msk $0xffff, v6;
	s20 =	sadd.s32 $0x80, s20  }
0x62: {  	s24 =	sadd.s32 $0x4, s24;
	v0 =	vld [tilespmem:s20+$0x30];
	[tilespmem:s21+$0x1830 ss:$0x81] =	vst.msk $0xffff, v7  }
.Ltmp4:
0x63: {  	_ = 	snop;
	(pc) =	sbr.rel .LBB1_4-.Ltmp4, $1  }
0x64: {  	_ =	sdelay $0x3  }
.LBB1_6:
0x65: {  	_ =	sfence.sel $0x180000  }
0x66: {  	s2 =	simm.s32 $0x1;
	[bflag:$0x0] =	sbarrier.arrive $0xFFFF  }
0x67: {  	s31 =	simm.s32 $0x2;
	[sflag:s2] =	ssyncpa.u1 $0x1  }
0x68: {  	[sflag:s31] =	ssyncpa.u1 $0x1  }
0x69: {  	p0 =	sne.s32 s0, $0x0;
	_ =	strace $0x9000004A  }
0x6a: {  	s0 =	sadd.s32 @!p0 $0x100000, s1;
	[bflag:$0x2] =	sbarrier.arrive $0xFFFF  }
0x6b: {  	[sflag:s0] =	ssyncadd.tile.s32 @!p0 $0x1;
	_ =	shalt  }
.Lfunc_end1:
_tile_overlayer_lowered:
.L_overlay_start_2:
0x6c: {  	(tag) =	ssettag $0x2  }
0x6d: {  	s0 =	rddreg [dreg:$0x0];
	s2 =	stileid.u32  }
0x6e: {  	s1 =	rddreg [dreg:$0x1];
	p0 =	sne.s32 s2, $0x0  }
0x6f: {  	s3 =	rddreg [dreg:$0x2];
	[bflag:$0x3] =	sbarrier.arrive $0xFFFF;
	s2 =	simm.s32 @!p0 $0x1C01  }
0x70: {  	[timem:s3], [sflag:s2] =	dma.local @!p0 [hbm:s0], s1  }
0x71: {  	s0 =	simm.s32 @!p0 $0x1  }
0x72: {  	_ =	swait.ge @!p0 [sflag:s0], s1  }
0x73: {  	s1 =	ssub.s32 @!p0 $0x0, s1;
	[sflag:s0] =	ssyncset.done @!p0 $0x0  }
0x74: {  	[sflag:s0] =	ssyncadd.s32 @!p0 s1  }
0x75: {  	[bflag:$0x3] =	sbarrier.arrive $0xFFFF  }
0x76: {  	_ =	shalt  }

</sc_bundles>
